<compile_context>
chip_gen: v7x
topology: tpu7x:2x2x1
jax: 0.10.2.dev20260603
libtpu: 0.0.44.dev20260713+nightly
codegen_flags: <defaults>
</compile_context>

<pallas_src>
import functools

import jax
import jax.numpy as jnp
from jax import lax
from jax.experimental import pallas as pl
from jax.experimental.pallas import tpu as pltpu
from jax.experimental.pallas import tpu_sc as plsc

D = 256
K = 512
BLK = 1024
PAD = -1
CW = 0.25


def _tc_body(flat_ref, mask_ref, embed_ref, iota_ref, idxg_ref, idxo_ref,
             loss_ref):
    i = pl.program_id(0)
    f = flat_ref[...]
    e = embed_ref[...]
    fg = lax.dot_general(f, e, (((1,), (1,)), ((), ())),
                         preferred_element_type=jnp.float32)
    f2 = jnp.sum(f * f, axis=1, keepdims=True)
    e2 = jnp.sum(e * e, axis=1)
    dist = f2 - 2.0 * fg + e2[None, :]
    md = jnp.min(dist, axis=1, keepdims=True)
    idxf = jnp.min(jnp.where(dist <= md, iota_ref[...], float(K)), axis=1)
    idx2 = idxf.astype(jnp.int32).reshape(BLK // 128, 128)
    m = mask_ref[...] > 0
    idxg_ref[...] = jnp.where(m, idx2, K)
    idxo_ref[...] = jnp.where(m, idx2, PAD)
    s = jnp.sum(md)

    @pl.when(i == 0)
    def _():
        loss_ref[...] = jnp.zeros_like(loss_ref)

    loss_ref[...] += s


def _tc_stage(flat, mask2d, embed):
    rows = flat.shape[0]
    nblk = rows // BLK
    sub = BLK // 128
    iota = jnp.arange(K, dtype=jnp.float32).reshape(1, K)
    return pl.pallas_call(
        _tc_body,
        grid=(nblk,),
        in_specs=[
            pl.BlockSpec((BLK, D), lambda i: (i, 0)),
            pl.BlockSpec((sub, 128), lambda i: (i, 0)),
            pl.BlockSpec((K, D), lambda i: (0, 0)),
            pl.BlockSpec((1, K), lambda i: (0, 0)),
        ],
        out_specs=[
            pl.BlockSpec((sub, 128), lambda i: (i, 0)),
            pl.BlockSpec((sub, 128), lambda i: (i, 0)),
            pl.BlockSpec((1, 1), lambda i: (0, 0)),
        ],
        out_shape=[
            jax.ShapeDtypeStruct((rows // 128, 128), jnp.int32),
            jax.ShapeDtypeStruct((rows // 128, 128), jnp.int32),
            jax.ShapeDtypeStruct((1, 1), jnp.float32),
        ],
    )(flat, mask2d, embed, iota)


def _sc_gather(table3, idx2, rows):
    info = plsc.get_sparse_core_info()
    ns = info.num_subcores
    half = D // 2
    per_s = rows // ns
    mesh = plsc.VectorSubcoreMesh(core_axis_name="c", subcore_axis_name="s")

    @functools.partial(
        pl.kernel,
        mesh=mesh,
        out_type=jax.ShapeDtypeStruct((rows, D), jnp.float32),
        scratch_types=[
            pltpu.VMEM(((K + 1) * half,), jnp.float32),
            pltpu.VMEM((per_s,), jnp.int32),
            pltpu.SemaphoreType.DMA,
        ],
    )
    def k(table_hbm, idx_hbm, out_hbm, tab_v, idx_v, sem0):
        c = lax.axis_index("c")
        s = lax.axis_index("s")
        pltpu.sync_copy(table_hbm.at[c], tab_v)
        pltpu.sync_copy(idx_hbm.at[s], idx_v)
        base = s * per_s

        def g_body(g, carry):
            idxv = idx_v[pl.ds(g * 16, 16)]
            r0 = base + g * 16
            for l in range(16):
                off = idxv[l] * half
                pltpu.async_copy(
                    tab_v.at[pl.ds(off, half)],
                    out_hbm.at[r0 + l, pl.ds(c * half, half)],
                    sem0)
            return carry

        lax.fori_loop(0, per_s // 16, g_body, 0)

        def w_body(g, carry):
            for l in range(16):
                pltpu.make_async_copy(
                    tab_v.at[pl.ds(0, half)],
                    out_hbm.at[base + l, pl.ds(c * half, half)],
                    sem0).wait()
            return carry

        lax.fori_loop(0, per_s // 16, w_body, 0)

    return k(table3, idx2)


def kernel(z, phoneme_mask, embed):
    B, N, Dz = z.shape
    rows = B * N
    flat = z.reshape(rows, Dz)
    mask2d = phoneme_mask.reshape(rows // 128, 128).astype(jnp.int32)
    idxg, idxo, loss = _tc_stage(flat, mask2d, embed)
    table = jnp.concatenate([embed, jnp.zeros((1, Dz), jnp.float32)], axis=0)
    table3 = table.reshape(K + 1, 2, Dz // 2).transpose(1, 0, 2).reshape(2, -1)
    idx2 = idxg.reshape(16, rows // 16)
    quant = _sc_gather(table3, idx2, rows)
    quantize = quant.reshape(B, N, Dz)
    indices = idxo.reshape(B, N)
    commit_loss = loss[0, 0] * (CW / (rows * Dz))
    return (quantize, indices, commit_loss)

# --- scband reference (transcript-rebuilt; emitter-appended) ---
"""Pipeline reference for scband-style-codebook-16587163697604 (READ-ONLY COPY).

The authoritative reference and input builder live on the scoring server;
editing this copy changes nothing except your own understanding.
"""

import jax, jax.numpy as jnp
import numpy as np

PAD_CODE = -1
COMMITMENT_WEIGHT = 0.25


def setup_inputs(seed: int = 0) -> dict:
    key = jax.random.key(seed)
    k1, k2, k3 = jax.random.split(key, 3)
    z = jax.random.normal(k1, (16, 2048, 256), dtype=jnp.float32)
    phoneme_mask = jax.random.randint(k2, (16, 2048), 0, 2).astype(bool)
    # learned codebook parameter (EMA-updated in torch; a buffer, not grad-trained)
    embed = jax.random.normal(k3, (512, 256), dtype=jnp.float32)
    return {"z": z, "phoneme_mask": phoneme_mask, "embed": embed}


def reference(z, phoneme_mask, embed):
    # Euclidean codebook lookup (VectorQuantize forward, eval-time math)
    B, N, D = z.shape
    flat = z.reshape(-1, D)
    dist = (jnp.sum(flat * flat, axis=1, keepdims=True)
            - 2.0 * (flat @ embed.T)
            + jnp.sum(embed * embed, axis=1)[None, :])
    idx_flat = jnp.argmin(dist, axis=1)
    quant_flat = jnp.take(embed, idx_flat, axis=0)
    quantize = quant_flat.reshape(B, N, D)
    indices = idx_flat.reshape(B, N)
    # commitment loss (codebook side is detached: EMA codebook)
    commit_loss = COMMITMENT_WEIGHT * jnp.mean(
        (jax.lax.stop_gradient(quantize) - z) ** 2)
    # straight-through estimator
    quantize = z + jax.lax.stop_gradient(quantize - z)
    # mask padded phoneme positions
    indices = jnp.where(phoneme_mask, indices,
                        jnp.full_like(indices, PAD_CODE))
    quantize = quantize * phoneme_mask[..., None].astype(quantize.dtype)
    return (quantize, indices, commit_loss)

if __name__ == "__main__":
    import jax
    _d = setup_inputs()
    print(jax.jit(kernel)(*tuple(_d.values())))

</pallas_src>

<mosaic_0001>
#map = affine_map<(d0, d1) -> (0, 0)>
module attributes {stable_mosaic.version = 14 : i64} {
  func.func @k(%arg0: i32, %arg1: i32, %arg2: memref<2x65664xf32, #tpu.memory_space<hbm>>, %arg3: memref<16x2048xi32, #tpu.memory_space<hbm>>, %arg4: memref<32768x256xf32, #tpu.memory_space<hbm>>, %arg5: memref<65664xf32, #tpu.memory_space<vmem>>, %arg6: memref<2048xi32, #tpu.memory_space<vmem>>, %arg7: memref<!tpu.dma_semaphore, #tpu.memory_space<semaphore_mem>>) attributes {dimension_semantics = [#tpu.dimension_semantics<core_parallel>, #tpu.dimension_semantics<subcore_parallel>], iteration_bounds = array<i64: 2, 16>, scalar_prefetch = 0 : i64, scratch_operands = 3 : i64, tpu.core_type = #tpu.core_type<sc_vector_subcore>, window_params = [{transform_indices = #map}, {transform_indices = #map}, {transform_indices = #map}]} {
    "tpu.region"() ({
      %run_scoped3A = tpu.sem_alloc : memref<!tpu.dma_semaphore, #tpu.memory_space<semaphore_mem>>
      %dma_start3A = arith.constant 0 : i32
      %dma_start3A_12 = tpu.memref_slice %arg2[%arg0, %dma_start3A] : memref<2x65664xf32, #tpu.memory_space<hbm>> -> memref<1x65664xf32, #tpu.memory_space<hbm>>
      %dma_start3A_13 = tpu.memref_squeeze %dma_start3A_12 : memref<1x65664xf32, #tpu.memory_space<hbm>> -> memref<65664xf32, #tpu.memory_space<hbm>>
      %dma_start3A_14 = arith.constant 0 : i32
      %dma_start3A_15 = tpu.memref_slice %arg2[%arg0, %dma_start3A_14] : memref<2x65664xf32, #tpu.memory_space<hbm>> -> memref<1x65664xf32, #tpu.memory_space<hbm>>
      %dma_start3A_16 = tpu.memref_squeeze %dma_start3A_15 : memref<1x65664xf32, #tpu.memory_space<hbm>> -> memref<65664xf32, #tpu.memory_space<hbm>>
      tpu.enqueue_dma source(%dma_start3A_16 : memref<65664xf32, #tpu.memory_space<hbm>>) target(%arg5 : memref<65664xf32, #tpu.memory_space<vmem>>) target_semaphore(%run_scoped3A : memref<!tpu.dma_semaphore, #tpu.memory_space<semaphore_mem>>)
      %dma_wait3A = arith.constant 0 : i32
      %dma_wait3A_17 = tpu.memref_slice %arg2[%arg0, %dma_wait3A] : memref<2x65664xf32, #tpu.memory_space<hbm>> -> memref<1x65664xf32, #tpu.memory_space<hbm>>
      %dma_wait3A_18 = tpu.memref_squeeze %dma_wait3A_17 : memref<1x65664xf32, #tpu.memory_space<hbm>> -> memref<65664xf32, #tpu.memory_space<hbm>>
      %dma_wait3A_19 = arith.constant 0 : i32
      %dma_wait3A_20 = tpu.memref_slice %arg2[%arg0, %dma_wait3A_19] : memref<2x65664xf32, #tpu.memory_space<hbm>> -> memref<1x65664xf32, #tpu.memory_space<hbm>>
      %dma_wait3A_21 = tpu.memref_squeeze %dma_wait3A_20 : memref<1x65664xf32, #tpu.memory_space<hbm>> -> memref<65664xf32, #tpu.memory_space<hbm>>
      tpu.wait_dma2 semaphore(%run_scoped3A : memref<!tpu.dma_semaphore, #tpu.memory_space<semaphore_mem>>) src(%dma_wait3A_21 : memref<65664xf32, #tpu.memory_space<hbm>>) dst(%arg5 : memref<65664xf32, #tpu.memory_space<vmem>>)
      tpu.yield
    }) : () -> ()
    "tpu.region"() ({
      %run_scoped3A = tpu.sem_alloc : memref<!tpu.dma_semaphore, #tpu.memory_space<semaphore_mem>>
      %dma_start3A = arith.constant 0 : i32
      %dma_start3A_12 = tpu.memref_slice %arg3[%arg1, %dma_start3A] : memref<16x2048xi32, #tpu.memory_space<hbm>> -> memref<1x2048xi32, #tpu.memory_space<hbm>>
      %dma_start3A_13 = tpu.memref_squeeze %dma_start3A_12 : memref<1x2048xi32, #tpu.memory_space<hbm>> -> memref<2048xi32, #tpu.memory_space<hbm>>
      %dma_start3A_14 = arith.constant 0 : i32
      %dma_start3A_15 = tpu.memref_slice %arg3[%arg1, %dma_start3A_14] : memref<16x2048xi32, #tpu.memory_space<hbm>> -> memref<1x2048xi32, #tpu.memory_space<hbm>>
      %dma_start3A_16 = tpu.memref_squeeze %dma_start3A_15 : memref<1x2048xi32, #tpu.memory_space<hbm>> -> memref<2048xi32, #tpu.memory_space<hbm>>
      tpu.enqueue_dma source(%dma_start3A_16 : memref<2048xi32, #tpu.memory_space<hbm>>) target(%arg6 : memref<2048xi32, #tpu.memory_space<vmem>>) target_semaphore(%run_scoped3A : memref<!tpu.dma_semaphore, #tpu.memory_space<semaphore_mem>>)
      %dma_wait3A = arith.constant 0 : i32
      %dma_wait3A_17 = tpu.memref_slice %arg3[%arg1, %dma_wait3A] : memref<16x2048xi32, #tpu.memory_space<hbm>> -> memref<1x2048xi32, #tpu.memory_space<hbm>>
      %dma_wait3A_18 = tpu.memref_squeeze %dma_wait3A_17 : memref<1x2048xi32, #tpu.memory_space<hbm>> -> memref<2048xi32, #tpu.memory_space<hbm>>
      %dma_wait3A_19 = arith.constant 0 : i32
      %dma_wait3A_20 = tpu.memref_slice %arg3[%arg1, %dma_wait3A_19] : memref<16x2048xi32, #tpu.memory_space<hbm>> -> memref<1x2048xi32, #tpu.memory_space<hbm>>
      %dma_wait3A_21 = tpu.memref_squeeze %dma_wait3A_20 : memref<1x2048xi32, #tpu.memory_space<hbm>> -> memref<2048xi32, #tpu.memory_space<hbm>>
      tpu.wait_dma2 semaphore(%run_scoped3A : memref<!tpu.dma_semaphore, #tpu.memory_space<semaphore_mem>>) src(%dma_wait3A_21 : memref<2048xi32, #tpu.memory_space<hbm>>) dst(%arg6 : memref<2048xi32, #tpu.memory_space<vmem>>)
      tpu.yield
    }) : () -> ()
    %mul3A = arith.constant 2048 : i32
    %mul3A_0 = arith.muli %arg1, %mul3A : i32
    %scan3A = arith.constant 0 : i32
    %scan3A_1 = arith.constant 0 : i32
    %scan3A_2 = arith.constant 128 : i32
    %scan3A_3 = arith.addi %scan3A_1, %scan3A_2 : i32
    %scan3A_4 = arith.constant 1 : i32
    scf.for %scan3A_12 = %scan3A_1 to %scan3A_3 step %scan3A_4  : i32 {
      %mul3A_13 = arith.constant 16 : i32
      %mul3A_14 = arith.muli %scan3A_12, %mul3A_13 : i32
      %get3A = arith.index_cast %mul3A_14 : i32 to index
      %get3A_15 = tpu.vector_load %arg6[%get3A] {strides = array<i32>} : memref<2048xi32, #tpu.memory_space<vmem>>, vector<16xi32>,
      %get3A_16 = vector.shape_cast %get3A_15 : vector<16xi32> to vector<16xi32>
      %mul3A_17 = arith.constant 16 : i32
      %mul3A_18 = arith.muli %scan3A_12, %mul3A_17 : i32
      %add3A = arith.addi %mul3A_0, %mul3A_18 : i32
      %slice3A = vector.extract_strided_slice %get3A_16 {offsets = [0], sizes = [1], strides = [1]} : vector<16xi32> to vector<1xi32>
      %squeeze3A = vector.extract %slice3A[0] : i32 from vector<1xi32>
      %mul3A_19 = arith.constant 128 : i32
      %mul3A_20 = arith.muli %squeeze3A, %mul3A_19 : i32
      %add3A_21 = arith.constant 0 : i32
      %add3A_22 = arith.addi %add3A, %add3A_21 : i32
      %mul3A_23 = arith.constant 128 : i32
      %mul3A_24 = arith.muli %arg0, %mul3A_23 : i32
      %dma_start3A = tpu.memref_slice %arg5[%mul3A_20] : memref<65664xf32, #tpu.memory_space<vmem>> -> memref<128xf32, #tpu.memory_space<vmem>>
      %dma_start3A_25 = tpu.memref_slice %arg4[%add3A_22, %mul3A_24] : memref<32768x256xf32, #tpu.memory_space<hbm>> -> memref<1x128xf32, #tpu.memory_space<hbm>>
      %dma_start3A_26 = tpu.memref_squeeze %dma_start3A_25 : memref<1x128xf32, #tpu.memory_space<hbm>> -> memref<128xf32, #tpu.memory_space<hbm>>
      %dma_start3A_27 = tpu.memref_slice %arg4[%add3A_22, %mul3A_24] : memref<32768x256xf32, #tpu.memory_space<hbm>> -> memref<1x128xf32, #tpu.memory_space<hbm>>
      %dma_start3A_28 = tpu.memref_squeeze %dma_start3A_27 : memref<1x128xf32, #tpu.memory_space<hbm>> -> memref<128xf32, #tpu.memory_space<hbm>>
      %dma_start3A_29 = tpu.memref_slice %arg5[%mul3A_20] : memref<65664xf32, #tpu.memory_space<vmem>> -> memref<128xf32, #tpu.memory_space<vmem>>
      tpu.enqueue_dma source(%dma_start3A_29 : memref<128xf32, #tpu.memory_space<vmem>>) target(%dma_start3A_28 : memref<128xf32, #tpu.memory_space<hbm>>) target_semaphore(%arg7 : memref<!tpu.dma_semaphore, #tpu.memory_space<semaphore_mem>>)
      %slice3A_30 = vector.extract_strided_slice %get3A_16 {offsets = [1], sizes = [1], strides = [1]} : vector<16xi32> to vector<1xi32>
      %squeeze3A_31 = vector.extract %slice3A_30[0] : i32 from vector<1xi32>
      %mul3A_32 = arith.constant 128 : i32
      %mul3A_33 = arith.muli %squeeze3A_31, %mul3A_32 : i32
      %add3A_34 = arith.constant 1 : i32
      %add3A_35 = arith.addi %add3A, %add3A_34 : i32
      %mul3A_36 = arith.constant 128 : i32
      %mul3A_37 = arith.muli %arg0, %mul3A_36 : i32
      %dma_start3A_38 = tpu.memref_slice %arg5[%mul3A_33] : memref<65664xf32, #tpu.memory_space<vmem>> -> memref<128xf32, #tpu.memory_space<vmem>>
      %dma_start3A_39 = tpu.memref_slice %arg4[%add3A_35, %mul3A_37] : memref<32768x256xf32, #tpu.memory_space<hbm>> -> memref<1x128xf32, #tpu.memory_space<hbm>>
      %dma_start3A_40 = tpu.memref_squeeze %dma_start3A_39 : memref<1x128xf32, #tpu.memory_space<hbm>> -> memref<128xf32, #tpu.memory_space<hbm>>
      %dma_start3A_41 = tpu.memref_slice %arg4[%add3A_35, %mul3A_37] : memref<32768x256xf32, #tpu.memory_space<hbm>> -> memref<1x128xf32, #tpu.memory_space<hbm>>
      %dma_start3A_42 = tpu.memref_squeeze %dma_start3A_41 : memref<1x128xf32, #tpu.memory_space<hbm>> -> memref<128xf32, #tpu.memory_space<hbm>>
      %dma_start3A_43 = tpu.memref_slice %arg5[%mul3A_33] : memref<65664xf32, #tpu.memory_space<vmem>> -> memref<128xf32, #tpu.memory_space<vmem>>
      tpu.enqueue_dma source(%dma_start3A_43 : memref<128xf32, #tpu.memory_space<vmem>>) target(%dma_start3A_42 : memref<128xf32, #tpu.memory_space<hbm>>) target_semaphore(%arg7 : memref<!tpu.dma_semaphore, #tpu.memory_space<semaphore_mem>>)
      %slice3A_44 = vector.extract_strided_slice %get3A_16 {offsets = [2], sizes = [1], strides = [1]} : vector<16xi32> to vector<1xi32>
      %squeeze3A_45 = vector.extract %slice3A_44[0] : i32 from vector<1xi32>
      %mul3A_46 = arith.constant 128 : i32
      %mul3A_47 = arith.muli %squeeze3A_45, %mul3A_46 : i32
      %add3A_48 = arith.constant 2 : i32
      %add3A_49 = arith.addi %add3A, %add3A_48 : i32
      %mul3A_50 = arith.constant 128 : i32
      %mul3A_51 = arith.muli %arg0, %mul3A_50 : i32
      %dma_start3A_52 = tpu.memref_slice %arg5[%mul3A_47] : memref<65664xf32, #tpu.memory_space<vmem>> -> memref<128xf32, #tpu.memory_space<vmem>>
      %dma_start3A_53 = tpu.memref_slice %arg4[%add3A_49, %mul3A_51] : memref<32768x256xf32, #tpu.memory_space<hbm>> -> memref<1x128xf32, #tpu.memory_space<hbm>>
      %dma_start3A_54 = tpu.memref_squeeze %dma_start3A_53 : memref<1x128xf32, #tpu.memory_space<hbm>> -> memref<128xf32, #tpu.memory_space<hbm>>
      %dma_start3A_55 = tpu.memref_slice %arg4[%add3A_49, %mul3A_51] : memref<32768x256xf32, #tpu.memory_space<hbm>> -> memref<1x128xf32, #tpu.memory_space<hbm>>
      %dma_start3A_56 = tpu.memref_squeeze %dma_start3A_55 : memref<1x128xf32, #tpu.memory_space<hbm>> -> memref<128xf32, #tpu.memory_space<hbm>>
      %dma_start3A_57 = tpu.memref_slice %arg5[%mul3A_47] : memref<65664xf32, #tpu.memory_space<vmem>> -> memref<128xf32, #tpu.memory_space<vmem>>
      tpu.enqueue_dma source(%dma_start3A_57 : memref<128xf32, #tpu.memory_space<vmem>>) target(%dma_start3A_56 : memref<128xf32, #tpu.memory_space<hbm>>) target_semaphore(%arg7 : memref<!tpu.dma_semaphore, #tpu.memory_space<semaphore_mem>>)
      %slice3A_58 = vector.extract_strided_slice %get3A_16 {offsets = [3], sizes = [1], strides = [1]} : vector<16xi32> to vector<1xi32>
      %squeeze3A_59 = vector.extract %slice3A_58[0] : i32 from vector<1xi32>
      %mul3A_60 = arith.constant 128 : i32
      %mul3A_61 = arith.muli %squeeze3A_59, %mul3A_60 : i32
      %add3A_62 = arith.constant 3 : i32
      %add3A_63 = arith.addi %add3A, %add3A_62 : i32
      %mul3A_64 = arith.constant 128 : i32
      %mul3A_65 = arith.muli %arg0, %mul3A_64 : i32
      %dma_start3A_66 = tpu.memref_slice %arg5[%mul3A_61] : memref<65664xf32, #tpu.memory_space<vmem>> -> memref<128xf32, #tpu.memory_space<vmem>>
      %dma_start3A_67 = tpu.memref_slice %arg4[%add3A_63, %mul3A_65] : memref<32768x256xf32, #tpu.memory_space<hbm>> -> memref<1x128xf32, #tpu.memory_space<hbm>>
      %dma_start3A_68 = tpu.memref_squeeze %dma_start3A_67 : memref<1x128xf32, #tpu.memory_space<hbm>> -> memref<128xf32, #tpu.memory_space<hbm>>
      %dma_start3A_69 = tpu.memref_slice %arg4[%add3A_63, %mul3A_65] : memref<32768x256xf32, #tpu.memory_space<hbm>> -> memref<1x128xf32, #tpu.memory_space<hbm>>
      %dma_start3A_70 = tpu.memref_squeeze %dma_start3A_69 : memref<1x128xf32, #tpu.memory_space<hbm>> -> memref<128xf32, #tpu.memory_space<hbm>>
      %dma_start3A_71 = tpu.memref_slice %arg5[%mul3A_61] : memref<65664xf32, #tpu.memory_space<vmem>> -> memref<128xf32, #tpu.memory_space<vmem>>
      tpu.enqueue_dma source(%dma_start3A_71 : memref<128xf32, #tpu.memory_space<vmem>>) target(%dma_start3A_70 : memref<128xf32, #tpu.memory_space<hbm>>) target_semaphore(%arg7 : memref<!tpu.dma_semaphore, #tpu.memory_space<semaphore_mem>>)
      %slice3A_72 = vector.extract_strided_slice %get3A_16 {offsets = [4], sizes = [1], strides = [1]} : vector<16xi32> to vector<1xi32>
      %squeeze3A_73 = vector.extract %slice3A_72[0] : i32 from vector<1xi32>
      %mul3A_74 = arith.constant 128 : i32
      %mul3A_75 = arith.muli %squeeze3A_73, %mul3A_74 : i32
      %add3A_76 = arith.constant 4 : i32
      %add3A_77 = arith.addi %add3A, %add3A_76 : i32
      %mul3A_78 = arith.constant 128 : i32
      %mul3A_79 = arith.muli %arg0, %mul3A_78 : i32
      %dma_start3A_80 = tpu.memref_slice %arg5[%mul3A_75] : memref<65664xf32, #tpu.memory_space<vmem>> -> memref<128xf32, #tpu.memory_space<vmem>>
      %dma_start3A_81 = tpu.memref_slice %arg4[%add3A_77, %mul3A_79] : memref<32768x256xf32, #tpu.memory_space<hbm>> -> memref<1x128xf32, #tpu.memory_space<hbm>>
      %dma_start3A_82 = tpu.memref_squeeze %dma_start3A_81 : memref<1x128xf32, #tpu.memory_space<hbm>> -> memref<128xf32, #tpu.memory_space<hbm>>
      %dma_start3A_83 = tpu.memref_slice %arg4[%add3A_77, %mul3A_79] : memref<32768x256xf32, #tpu.memory_space<hbm>> -> memref<1x128xf32, #tpu.memory_space<hbm>>
      %dma_start3A_84 = tpu.memref_squeeze %dma_start3A_83 : memref<1x128xf32, #tpu.memory_space<hbm>> -> memref<128xf32, #tpu.memory_space<hbm>>
      %dma_start3A_85 = tpu.memref_slice %arg5[%mul3A_75] : memref<65664xf32, #tpu.memory_space<vmem>> -> memref<128xf32, #tpu.memory_space<vmem>>
      tpu.enqueue_dma source(%dma_start3A_85 : memref<128xf32, #tpu.memory_space<vmem>>) target(%dma_start3A_84 : memref<128xf32, #tpu.memory_space<hbm>>) target_semaphore(%arg7 : memref<!tpu.dma_semaphore, #tpu.memory_space<semaphore_mem>>)
      %slice3A_86 = vector.extract_strided_slice %get3A_16 {offsets = [5], sizes = [1], strides = [1]} : vector<16xi32> to vector<1xi32>
      %squeeze3A_87 = vector.extract %slice3A_86[0] : i32 from vector<1xi32>
      %mul3A_88 = arith.constant 128 : i32
      %mul3A_89 = arith.muli %squeeze3A_87, %mul3A_88 : i32
      %add3A_90 = arith.constant 5 : i32
      %add3A_91 = arith.addi %add3A, %add3A_90 : i32
      %mul3A_92 = arith.constant 128 : i32
      %mul3A_93 = arith.muli %arg0, %mul3A_92 : i32
      %dma_start3A_94 = tpu.memref_slice %arg5[%mul3A_89] : memref<65664xf32, #tpu.memory_space<vmem>> -> memref<128xf32, #tpu.memory_space<vmem>>
      %dma_start3A_95 = tpu.memref_slice %arg4[%add3A_91, %mul3A_93] : memref<32768x256xf32, #tpu.memory_space<hbm>> -> memref<1x128xf32, #tpu.memory_space<hbm>>
      %dma_start3A_96 = tpu.memref_squeeze %dma_start3A_95 : memref<1x128xf32, #tpu.memory_space<hbm>> -> memref<128xf32, #tpu.memory_space<hbm>>
      %dma_start3A_97 = tpu.memref_slice %arg4[%add3A_91, %mul3A_93] : memref<32768x256xf32, #tpu.memory_space<hbm>> -> memref<1x128xf32, #tpu.memory_space<hbm>>
      %dma_start3A_98 = tpu.memref_squeeze %dma_start3A_97 : memref<1x128xf32, #tpu.memory_space<hbm>> -> memref<128xf32, #tpu.memory_space<hbm>>
      %dma_start3A_99 = tpu.memref_slice %arg5[%mul3A_89] : memref<65664xf32, #tpu.memory_space<vmem>> -> memref<128xf32, #tpu.memory_space<vmem>>
      tpu.enqueue_dma source(%dma_start3A_99 : memref<128xf32, #tpu.memory_space<vmem>>) target(%dma_start3A_98 : memref<128xf32, #tpu.memory_space<hbm>>) target_semaphore(%arg7 : memref<!tpu.dma_semaphore, #tpu.memory_space<semaphore_mem>>)
      %slice3A_100 = vector.extract_strided_slice %get3A_16 {offsets = [6], sizes = [1], strides = [1]} : vector<16xi32> to vector<1xi32>
      %squeeze3A_101 = vector.extract %slice3A_100[0] : i32 from vector<1xi32>
      %mul3A_102 = arith.constant 128 : i32
      %mul3A_103 = arith.muli %squeeze3A_101, %mul3A_102 : i32
      %add3A_104 = arith.constant 6 : i32
      %add3A_105 = arith.addi %add3A, %add3A_104 : i32
      %mul3A_106 = arith.constant 128 : i32
      %mul3A_107 = arith.muli %arg0, %mul3A_106 : i32
      %dma_start3A_108 = tpu.memref_slice %arg5[%mul3A_103] : memref<65664xf32, #tpu.memory_space<vmem>> -> memref<128xf32, #tpu.memory_space<vmem>>
      %dma_start3A_109 = tpu.memref_slice %arg4[%add3A_105, %mul3A_107] : memref<32768x256xf32, #tpu.memory_space<hbm>> -> memref<1x128xf32, #tpu.memory_space<hbm>>
      %dma_start3A_110 = tpu.memref_squeeze %dma_start3A_109 : memref<1x128xf32, #tpu.memory_space<hbm>> -> memref<128xf32, #tpu.memory_space<hbm>>
      %dma_start3A_111 = tpu.memref_slice %arg4[%add3A_105, %mul3A_107] : memref<32768x256xf32, #tpu.memory_space<hbm>> -> memref<1x128xf32, #tpu.memory_space<hbm>>
      %dma_start3A_112 = tpu.memref_squeeze %dma_start3A_111 : memref<1x128xf32, #tpu.memory_space<hbm>> -> memref<128xf32, #tpu.memory_space<hbm>>
      %dma_start3A_113 = tpu.memref_slice %arg5[%mul3A_103] : memref<65664xf32, #tpu.memory_space<vmem>> -> memref<128xf32, #tpu.memory_space<vmem>>
      tpu.enqueue_dma source(%dma_start3A_113 : memref<128xf32, #tpu.memory_space<vmem>>) target(%dma_start3A_112 : memref<128xf32, #tpu.memory_space<hbm>>) target_semaphore(%arg7 : memref<!tpu.dma_semaphore, #tpu.memory_space<semaphore_mem>>)
      %slice3A_114 = vector.extract_strided_slice %get3A_16 {offsets = [7], sizes = [1], strides = [1]} : vector<16xi32> to vector<1xi32>
      %squeeze3A_115 = vector.extract %slice3A_114[0] : i32 from vector<1xi32>
      %mul3A_116 = arith.constant 128 : i32
      %mul3A_117 = arith.muli %squeeze3A_115, %mul3A_116 : i32
      %add3A_118 = arith.constant 7 : i32
      %add3A_119 = arith.addi %add3A, %add3A_118 : i32
      %mul3A_120 = arith.constant 128 : i32
      %mul3A_121 = arith.muli %arg0, %mul3A_120 : i32
      %dma_start3A_122 = tpu.memref_slice %arg5[%mul3A_117] : memref<65664xf32, #tpu.memory_space<vmem>> -> memref<128xf32, #tpu.memory_space<vmem>>
      %dma_start3A_123 = tpu.memref_slice %arg4[%add3A_119, %mul3A_121] : memref<32768x256xf32, #tpu.memory_space<hbm>> -> memref<1x128xf32, #tpu.memory_space<hbm>>
      %dma_start3A_124 = tpu.memref_squeeze %dma_start3A_123 : memref<1x128xf32, #tpu.memory_space<hbm>> -> memref<128xf32, #tpu.memory_space<hbm>>
      %dma_start3A_125 = tpu.memref_slice %arg4[%add3A_119, %mul3A_121] : memref<32768x256xf32, #tpu.memory_space<hbm>> -> memref<1x128xf32, #tpu.memory_space<hbm>>
      %dma_start3A_126 = tpu.memref_squeeze %dma_start3A_125 : memref<1x128xf32, #tpu.memory_space<hbm>> -> memref<128xf32, #tpu.memory_space<hbm>>
      %dma_start3A_127 = tpu.memref_slice %arg5[%mul3A_117] : memref<65664xf32, #tpu.memory_space<vmem>> -> memref<128xf32, #tpu.memory_space<vmem>>
      tpu.enqueue_dma source(%dma_start3A_127 : memref<128xf32, #tpu.memory_space<vmem>>) target(%dma_start3A_126 : memref<128xf32, #tpu.memory_space<hbm>>) target_semaphore(%arg7 : memref<!tpu.dma_semaphore, #tpu.memory_space<semaphore_mem>>)
      %slice3A_128 = vector.extract_strided_slice %get3A_16 {offsets = [8], sizes = [1], strides = [1]} : vector<16xi32> to vector<1xi32>
      %squeeze3A_129 = vector.extract %slice3A_128[0] : i32 from vector<1xi32>
      %mul3A_130 = arith.constant 128 : i32
      %mul3A_131 = arith.muli %squeeze3A_129, %mul3A_130 : i32
      %add3A_132 = arith.constant 8 : i32
      %add3A_133 = arith.addi %add3A, %add3A_132 : i32
      %mul3A_134 = arith.constant 128 : i32
      %mul3A_135 = arith.muli %arg0, %mul3A_134 : i32
      %dma_start3A_136 = tpu.memref_slice %arg5[%mul3A_131] : memref<65664xf32, #tpu.memory_space<vmem>> -> memref<128xf32, #tpu.memory_space<vmem>>
      %dma_start3A_137 = tpu.memref_slice %arg4[%add3A_133, %mul3A_135] : memref<32768x256xf32, #tpu.memory_space<hbm>> -> memref<1x128xf32, #tpu.memory_space<hbm>>
      %dma_start3A_138 = tpu.memref_squeeze %dma_start3A_137 : memref<1x128xf32, #tpu.memory_space<hbm>> -> memref<128xf32, #tpu.memory_space<hbm>>
      %dma_start3A_139 = tpu.memref_slice %arg4[%add3A_133, %mul3A_135] : memref<32768x256xf32, #tpu.memory_space<hbm>> -> memref<1x128xf32, #tpu.memory_space<hbm>>
      %dma_start3A_140 = tpu.memref_squeeze %dma_start3A_139 : memref<1x128xf32, #tpu.memory_space<hbm>> -> memref<128xf32, #tpu.memory_space<hbm>>
      %dma_start3A_141 = tpu.memref_slice %arg5[%mul3A_131] : memref<65664xf32, #tpu.memory_space<vmem>> -> memref<128xf32, #tpu.memory_space<vmem>>
      tpu.enqueue_dma source(%dma_start3A_141 : memref<128xf32, #tpu.memory_space<vmem>>) target(%dma_start3A_140 : memref<128xf32, #tpu.memory_space<hbm>>) target_semaphore(%arg7 : memref<!tpu.dma_semaphore, #tpu.memory_space<semaphore_mem>>)
      %slice3A_142 = vector.extract_strided_slice %get3A_16 {offsets = [9], sizes = [1], strides = [1]} : vector<16xi32> to vector<1xi32>
      %squeeze3A_143 = vector.extract %slice3A_142[0] : i32 from vector<1xi32>
      %mul3A_144 = arith.constant 128 : i32
      %mul3A_145 = arith.muli %squeeze3A_143, %mul3A_144 : i32
      %add3A_146 = arith.constant 9 : i32
      %add3A_147 = arith.addi %add3A, %add3A_146 : i32
      %mul3A_148 = arith.constant 128 : i32
      %mul3A_149 = arith.muli %arg0, %mul3A_148 : i32
      %dma_start3A_150 = tpu.memref_slice %arg5[%mul3A_145] : memref<65664xf32, #tpu.memory_space<vmem>> -> memref<128xf32, #tpu.memory_space<vmem>>
      %dma_start3A_151 = tpu.memref_slice %arg4[%add3A_147, %mul3A_149] : memref<32768x256xf32, #tpu.memory_space<hbm>> -> memref<1x128xf32, #tpu.memory_space<hbm>>
      %dma_start3A_152 = tpu.memref_squeeze %dma_start3A_151 : memref<1x128xf32, #tpu.memory_space<hbm>> -> memref<128xf32, #tpu.memory_space<hbm>>
      %dma_start3A_153 = tpu.memref_slice %arg4[%add3A_147, %mul3A_149] : memref<32768x256xf32, #tpu.memory_space<hbm>> -> memref<1x128xf32, #tpu.memory_space<hbm>>
      %dma_start3A_154 = tpu.memref_squeeze %dma_start3A_153 : memref<1x128xf32, #tpu.memory_space<hbm>> -> memref<128xf32, #tpu.memory_space<hbm>>
      %dma_start3A_155 = tpu.memref_slice %arg5[%mul3A_145] : memref<65664xf32, #tpu.memory_space<vmem>> -> memref<128xf32, #tpu.memory_space<vmem>>
      tpu.enqueue_dma source(%dma_start3A_155 : memref<128xf32, #tpu.memory_space<vmem>>) target(%dma_start3A_154 : memref<128xf32, #tpu.memory_space<hbm>>) target_semaphore(%arg7 : memref<!tpu.dma_semaphore, #tpu.memory_space<semaphore_mem>>)
      %slice3A_156 = vector.extract_strided_slice %get3A_16 {offsets = [10], sizes = [1], strides = [1]} : vector<16xi32> to vector<1xi32>
      %squeeze3A_157 = vector.extract %slice3A_156[0] : i32 from vector<1xi32>
      %mul3A_158 = arith.constant 128 : i32
      %mul3A_159 = arith.muli %squeeze3A_157, %mul3A_158 : i32
      %add3A_160 = arith.constant 10 : i32
      %add3A_161 = arith.addi %add3A, %add3A_160 : i32
      %mul3A_162 = arith.constant 128 : i32
      %mul3A_163 = arith.muli %arg0, %mul3A_162 : i32
      %dma_start3A_164 = tpu.memref_slice %arg5[%mul3A_159] : memref<65664xf32, #tpu.memory_space<vmem>> -> memref<128xf32, #tpu.memory_space<vmem>>
      %dma_start3A_165 = tpu.memref_slice %arg4[%add3A_161, %mul3A_163] : memref<32768x256xf32, #tpu.memory_space<hbm>> -> memref<1x128xf32, #tpu.memory_space<hbm>>
      %dma_start3A_166 = tpu.memref_squeeze %dma_start3A_165 : memref<1x128xf32, #tpu.memory_space<hbm>> -> memref<128xf32, #tpu.memory_space<hbm>>
      %dma_start3A_167 = tpu.memref_slice %arg4[%add3A_161, %mul3A_163] : memref<32768x256xf32, #tpu.memory_space<hbm>> -> memref<1x128xf32, #tpu.memory_space<hbm>>
      %dma_start3A_168 = tpu.memref_squeeze %dma_start3A_167 : memref<1x128xf32, #tpu.memory_space<hbm>> -> memref<128xf32, #tpu.memory_space<hbm>>
      %dma_start3A_169 = tpu.memref_slice %arg5[%mul3A_159] : memref<65664xf32, #tpu.memory_space<vmem>> -> memref<128xf32, #tpu.memory_space<vmem>>
      tpu.enqueue_dma source(%dma_start3A_169 : memref<128xf32, #tpu.memory_space<vmem>>) target(%dma_start3A_168 : memref<128xf32, #tpu.memory_space<hbm>>) target_semaphore(%arg7 : memref<!tpu.dma_semaphore, #tpu.memory_space<semaphore_mem>>)
      %slice3A_170 = vector.extract_strided_slice %get3A_16 {offsets = [11], sizes = [1], strides = [1]} : vector<16xi32> to vector<1xi32>
      %squeeze3A_171 = vector.extract %slice3A_170[0] : i32 from vector<1xi32>
      %mul3A_172 = arith.constant 128 : i32
      %mul3A_173 = arith.muli %squeeze3A_171, %mul3A_172 : i32
      %add3A_174 = arith.constant 11 : i32
      %add3A_175 = arith.addi %add3A, %add3A_174 : i32
      %mul3A_176 = arith.constant 128 : i32
      %mul3A_177 = arith.muli %arg0, %mul3A_176 : i32
      %dma_start3A_178 = tpu.memref_slice %arg5[%mul3A_173] : memref<65664xf32, #tpu.memory_space<vmem>> -> memref<128xf32, #tpu.memory_space<vmem>>
      %dma_start3A_179 = tpu.memref_slice %arg4[%add3A_175, %mul3A_177] : memref<32768x256xf32, #tpu.memory_space<hbm>> -> memref<1x128xf32, #tpu.memory_space<hbm>>
      %dma_start3A_180 = tpu.memref_squeeze %dma_start3A_179 : memref<1x128xf32, #tpu.memory_space<hbm>> -> memref<128xf32, #tpu.memory_space<hbm>>
      %dma_start3A_181 = tpu.memref_slice %arg4[%add3A_175, %mul3A_177] : memref<32768x256xf32, #tpu.memory_space<hbm>> -> memref<1x128xf32, #tpu.memory_space<hbm>>
      %dma_start3A_182 = tpu.memref_squeeze %dma_start3A_181 : memref<1x128xf32, #tpu.memory_space<hbm>> -> memref<128xf32, #tpu.memory_space<hbm>>
      %dma_start3A_183 = tpu.memref_slice %arg5[%mul3A_173] : memref<65664xf32, #tpu.memory_space<vmem>> -> memref<128xf32, #tpu.memory_space<vmem>>
      tpu.enqueue_dma source(%dma_start3A_183 : memref<128xf32, #tpu.memory_space<vmem>>) target(%dma_start3A_182 : memref<128xf32, #tpu.memory_space<hbm>>) target_semaphore(%arg7 : memref<!tpu.dma_semaphore, #tpu.memory_space<semaphore_mem>>)
      %slice3A_184 = vector.extract_strided_slice %get3A_16 {offsets = [12], sizes = [1], strides = [1]} : vector<16xi32> to vector<1xi32>
      %squeeze3A_185 = vector.extract %slice3A_184[0] : i32 from vector<1xi32>
      %mul3A_186 = arith.constant 128 : i32
      %mul3A_187 = arith.muli %squeeze3A_185, %mul3A_186 : i32
      %add3A_188 = arith.constant 12 : i32
      %add3A_189 = arith.addi %add3A, %add3A_188 : i32
      %mul3A_190 = arith.constant 128 : i32
      %mul3A_191 = arith.muli %arg0, %mul3A_190 : i32
      %dma_start3A_192 = tpu.memref_slice %arg5[%mul3A_187] : memref<65664xf32, #tpu.memory_space<vmem>> -> memref<128xf32, #tpu.memory_space<vmem>>
      %dma_start3A_193 = tpu.memref_slice %arg4[%add3A_189, %mul3A_191] : memref<32768x256xf32, #tpu.memory_space<hbm>> -> memref<1x128xf32, #tpu.memory_space<hbm>>
      %dma_start3A_194 = tpu.memref_squeeze %dma_start3A_193 : memref<1x128xf32, #tpu.memory_space<hbm>> -> memref<128xf32, #tpu.memory_space<hbm>>
      %dma_start3A_195 = tpu.memref_slice %arg4[%add3A_189, %mul3A_191] : memref<32768x256xf32, #tpu.memory_space<hbm>> -> memref<1x128xf32, #tpu.memory_space<hbm>>
      %dma_start3A_196 = tpu.memref_squeeze %dma_start3A_195 : memref<1x128xf32, #tpu.memory_space<hbm>> -> memref<128xf32, #tpu.memory_space<hbm>>
      %dma_start3A_197 = tpu.memref_slice %arg5[%mul3A_187] : memref<65664xf32, #tpu.memory_space<vmem>> -> memref<128xf32, #tpu.memory_space<vmem>>
      tpu.enqueue_dma source(%dma_start3A_197 : memref<128xf32, #tpu.memory_space<vmem>>) target(%dma_start3A_196 : memref<128xf32, #tpu.memory_space<hbm>>) target_semaphore(%arg7 : memref<!tpu.dma_semaphore, #tpu.memory_space<semaphore_mem>>)
      %slice3A_198 = vector.extract_strided_slice %get3A_16 {offsets = [13], sizes = [1], strides = [1]} : vector<16xi32> to vector<1xi32>
      %squeeze3A_199 = vector.extract %slice3A_198[0] : i32 from vector<1xi32>
      %mul3A_200 = arith.constant 128 : i32
      %mul3A_201 = arith.muli %squeeze3A_199, %mul3A_200 : i32
      %add3A_202 = arith.constant 13 : i32
      %add3A_203 = arith.addi %add3A, %add3A_202 : i32
      %mul3A_204 = arith.constant 128 : i32
      %mul3A_205 = arith.muli %arg0, %mul3A_204 : i32
      %dma_start3A_206 = tpu.memref_slice %arg5[%mul3A_201] : memref<65664xf32, #tpu.memory_space<vmem>> -> memref<128xf32, #tpu.memory_space<vmem>>
      %dma_start3A_207 = tpu.memref_slice %arg4[%add3A_203, %mul3A_205] : memref<32768x256xf32, #tpu.memory_space<hbm>> -> memref<1x128xf32, #tpu.memory_space<hbm>>
      %dma_start3A_208 = tpu.memref_squeeze %dma_start3A_207 : memref<1x128xf32, #tpu.memory_space<hbm>> -> memref<128xf32, #tpu.memory_space<hbm>>
      %dma_start3A_209 = tpu.memref_slice %arg4[%add3A_203, %mul3A_205] : memref<32768x256xf32, #tpu.memory_space<hbm>> -> memref<1x128xf32, #tpu.memory_space<hbm>>
      %dma_start3A_210 = tpu.memref_squeeze %dma_start3A_209 : memref<1x128xf32, #tpu.memory_space<hbm>> -> memref<128xf32, #tpu.memory_space<hbm>>
      %dma_start3A_211 = tpu.memref_slice %arg5[%mul3A_201] : memref<65664xf32, #tpu.memory_space<vmem>> -> memref<128xf32, #tpu.memory_space<vmem>>
      tpu.enqueue_dma source(%dma_start3A_211 : memref<128xf32, #tpu.memory_space<vmem>>) target(%dma_start3A_210 : memref<128xf32, #tpu.memory_space<hbm>>) target_semaphore(%arg7 : memref<!tpu.dma_semaphore, #tpu.memory_space<semaphore_mem>>)
      %slice3A_212 = vector.extract_strided_slice %get3A_16 {offsets = [14], sizes = [1], strides = [1]} : vector<16xi32> to vector<1xi32>
      %squeeze3A_213 = vector.extract %slice3A_212[0] : i32 from vector<1xi32>
      %mul3A_214 = arith.constant 128 : i32
      %mul3A_215 = arith.muli %squeeze3A_213, %mul3A_214 : i32
      %add3A_216 = arith.constant 14 : i32
      %add3A_217 = arith.addi %add3A, %add3A_216 : i32
      %mul3A_218 = arith.constant 128 : i32
      %mul3A_219 = arith.muli %arg0, %mul3A_218 : i32
      %dma_start3A_220 = tpu.memref_slice %arg5[%mul3A_215] : memref<65664xf32, #tpu.memory_space<vmem>> -> memref<128xf32, #tpu.memory_space<vmem>>
      %dma_start3A_221 = tpu.memref_slice %arg4[%add3A_217, %mul3A_219] : memref<32768x256xf32, #tpu.memory_space<hbm>> -> memref<1x128xf32, #tpu.memory_space<hbm>>
      %dma_start3A_222 = tpu.memref_squeeze %dma_start3A_221 : memref<1x128xf32, #tpu.memory_space<hbm>> -> memref<128xf32, #tpu.memory_space<hbm>>
      %dma_start3A_223 = tpu.memref_slice %arg4[%add3A_217, %mul3A_219] : memref<32768x256xf32, #tpu.memory_space<hbm>> -> memref<1x128xf32, #tpu.memory_space<hbm>>
      %dma_start3A_224 = tpu.memref_squeeze %dma_start3A_223 : memref<1x128xf32, #tpu.memory_space<hbm>> -> memref<128xf32, #tpu.memory_space<hbm>>
      %dma_start3A_225 = tpu.memref_slice %arg5[%mul3A_215] : memref<65664xf32, #tpu.memory_space<vmem>> -> memref<128xf32, #tpu.memory_space<vmem>>
      tpu.enqueue_dma source(%dma_start3A_225 : memref<128xf32, #tpu.memory_space<vmem>>) target(%dma_start3A_224 : memref<128xf32, #tpu.memory_space<hbm>>) target_semaphore(%arg7 : memref<!tpu.dma_semaphore, #tpu.memory_space<semaphore_mem>>)
      %slice3A_226 = vector.extract_strided_slice %get3A_16 {offsets = [15], sizes = [1], strides = [1]} : vector<16xi32> to vector<1xi32>
      %squeeze3A_227 = vector.extract %slice3A_226[0] : i32 from vector<1xi32>
      %mul3A_228 = arith.constant 128 : i32
      %mul3A_229 = arith.muli %squeeze3A_227, %mul3A_228 : i32
      %add3A_230 = arith.constant 15 : i32
      %add3A_231 = arith.addi %add3A, %add3A_230 : i32
      %mul3A_232 = arith.constant 128 : i32
      %mul3A_233 = arith.muli %arg0, %mul3A_232 : i32
      %dma_start3A_234 = tpu.memref_slice %arg5[%mul3A_229] : memref<65664xf32, #tpu.memory_space<vmem>> -> memref<128xf32, #tpu.memory_space<vmem>>
      %dma_start3A_235 = tpu.memref_slice %arg4[%add3A_231, %mul3A_233] : memref<32768x256xf32, #tpu.memory_space<hbm>> -> memref<1x128xf32, #tpu.memory_space<hbm>>
      %dma_start3A_236 = tpu.memref_squeeze %dma_start3A_235 : memref<1x128xf32, #tpu.memory_space<hbm>> -> memref<128xf32, #tpu.memory_space<hbm>>
      %dma_start3A_237 = tpu.memref_slice %arg4[%add3A_231, %mul3A_233] : memref<32768x256xf32, #tpu.memory_space<hbm>> -> memref<1x128xf32, #tpu.memory_space<hbm>>
      %dma_start3A_238 = tpu.memref_squeeze %dma_start3A_237 : memref<1x128xf32, #tpu.memory_space<hbm>> -> memref<128xf32, #tpu.memory_space<hbm>>
      %dma_start3A_239 = tpu.memref_slice %arg5[%mul3A_229] : memref<65664xf32, #tpu.memory_space<vmem>> -> memref<128xf32, #tpu.memory_space<vmem>>
      tpu.enqueue_dma source(%dma_start3A_239 : memref<128xf32, #tpu.memory_space<vmem>>) target(%dma_start3A_238 : memref<128xf32, #tpu.memory_space<hbm>>) target_semaphore(%arg7 : memref<!tpu.dma_semaphore, #tpu.memory_space<semaphore_mem>>)
    }
    %scan3A_5 = arith.constant 128 : i32
    %scan3A_6 = arith.constant 0 : i32
    %scan3A_7 = arith.constant 0 : i32
    %scan3A_8 = arith.constant 128 : i32
    %scan3A_9 = arith.addi %scan3A_7, %scan3A_8 : i32
    %scan3A_10 = arith.constant 1 : i32
    scf.for %scan3A_12 = %scan3A_7 to %scan3A_9 step %scan3A_10  : i32 {
      %add3A = arith.constant 0 : i32
      %add3A_13 = arith.addi %mul3A_0, %add3A : i32
      %mul3A_14 = arith.constant 128 : i32
      %mul3A_15 = arith.muli %arg0, %mul3A_14 : i32
      %dma_wait3A = arith.constant 0 : i32
      %dma_wait3A_16 = tpu.memref_slice %arg5[%dma_wait3A] : memref<65664xf32, #tpu.memory_space<vmem>> -> memref<128xf32, #tpu.memory_space<vmem>>
      %dma_wait3A_17 = tpu.memref_slice %arg4[%add3A_13, %mul3A_15] : memref<32768x256xf32, #tpu.memory_space<hbm>> -> memref<1x128xf32, #tpu.memory_space<hbm>>
      %dma_wait3A_18 = tpu.memref_squeeze %dma_wait3A_17 : memref<1x128xf32, #tpu.memory_space<hbm>> -> memref<128xf32, #tpu.memory_space<hbm>>
      %dma_wait3A_19 = tpu.memref_slice %arg4[%add3A_13, %mul3A_15] : memref<32768x256xf32, #tpu.memory_space<hbm>> -> memref<1x128xf32, #tpu.memory_space<hbm>>
      %dma_wait3A_20 = tpu.memref_squeeze %dma_wait3A_19 : memref<1x128xf32, #tpu.memory_space<hbm>> -> memref<128xf32, #tpu.memory_space<hbm>>
      %dma_wait3A_21 = arith.constant 0 : i32
      %dma_wait3A_22 = tpu.memref_slice %arg5[%dma_wait3A_21] : memref<65664xf32, #tpu.memory_space<vmem>> -> memref<128xf32, #tpu.memory_space<vmem>>
      tpu.wait_dma2 semaphore(%arg7 : memref<!tpu.dma_semaphore, #tpu.memory_space<semaphore_mem>>) src(%dma_wait3A_22 : memref<128xf32, #tpu.memory_space<vmem>>) dst(%dma_wait3A_20 : memref<128xf32, #tpu.memory_space<hbm>>)
      %add3A_23 = arith.constant 1 : i32
      %add3A_24 = arith.addi %mul3A_0, %add3A_23 : i32
      %mul3A_25 = arith.constant 128 : i32
      %mul3A_26 = arith.muli %arg0, %mul3A_25 : i32
      %dma_wait3A_27 = arith.constant 0 : i32
      %dma_wait3A_28 = tpu.memref_slice %arg5[%dma_wait3A_27] : memref<65664xf32, #tpu.memory_space<vmem>> -> memref<128xf32, #tpu.memory_space<vmem>>
      %dma_wait3A_29 = tpu.memref_slice %arg4[%add3A_24, %mul3A_26] : memref<32768x256xf32, #tpu.memory_space<hbm>> -> memref<1x128xf32, #tpu.memory_space<hbm>>
      %dma_wait3A_30 = tpu.memref_squeeze %dma_wait3A_29 : memref<1x128xf32, #tpu.memory_space<hbm>> -> memref<128xf32, #tpu.memory_space<hbm>>
      %dma_wait3A_31 = tpu.memref_slice %arg4[%add3A_24, %mul3A_26] : memref<32768x256xf32, #tpu.memory_space<hbm>> -> memref<1x128xf32, #tpu.memory_space<hbm>>
      %dma_wait3A_32 = tpu.memref_squeeze %dma_wait3A_31 : memref<1x128xf32, #tpu.memory_space<hbm>> -> memref<128xf32, #tpu.memory_space<hbm>>
      %dma_wait3A_33 = arith.constant 0 : i32
      %dma_wait3A_34 = tpu.memref_slice %arg5[%dma_wait3A_33] : memref<65664xf32, #tpu.memory_space<vmem>> -> memref<128xf32, #tpu.memory_space<vmem>>
      tpu.wait_dma2 semaphore(%arg7 : memref<!tpu.dma_semaphore, #tpu.memory_space<semaphore_mem>>) src(%dma_wait3A_34 : memref<128xf32, #tpu.memory_space<vmem>>) dst(%dma_wait3A_32 : memref<128xf32, #tpu.memory_space<hbm>>)
      %add3A_35 = arith.constant 2 : i32
      %add3A_36 = arith.addi %mul3A_0, %add3A_35 : i32
      %mul3A_37 = arith.constant 128 : i32
      %mul3A_38 = arith.muli %arg0, %mul3A_37 : i32
      %dma_wait3A_39 = arith.constant 0 : i32
      %dma_wait3A_40 = tpu.memref_slice %arg5[%dma_wait3A_39] : memref<65664xf32, #tpu.memory_space<vmem>> -> memref<128xf32, #tpu.memory_space<vmem>>
      %dma_wait3A_41 = tpu.memref_slice %arg4[%add3A_36, %mul3A_38] : memref<32768x256xf32, #tpu.memory_space<hbm>> -> memref<1x128xf32, #tpu.memory_space<hbm>>
      %dma_wait3A_42 = tpu.memref_squeeze %dma_wait3A_41 : memref<1x128xf32, #tpu.memory_space<hbm>> -> memref<128xf32, #tpu.memory_space<hbm>>
      %dma_wait3A_43 = tpu.memref_slice %arg4[%add3A_36, %mul3A_38] : memref<32768x256xf32, #tpu.memory_space<hbm>> -> memref<1x128xf32, #tpu.memory_space<hbm>>
      %dma_wait3A_44 = tpu.memref_squeeze %dma_wait3A_43 : memref<1x128xf32, #tpu.memory_space<hbm>> -> memref<128xf32, #tpu.memory_space<hbm>>
      %dma_wait3A_45 = arith.constant 0 : i32
      %dma_wait3A_46 = tpu.memref_slice %arg5[%dma_wait3A_45] : memref<65664xf32, #tpu.memory_space<vmem>> -> memref<128xf32, #tpu.memory_space<vmem>>
      tpu.wait_dma2 semaphore(%arg7 : memref<!tpu.dma_semaphore, #tpu.memory_space<semaphore_mem>>) src(%dma_wait3A_46 : memref<128xf32, #tpu.memory_space<vmem>>) dst(%dma_wait3A_44 : memref<128xf32, #tpu.memory_space<hbm>>)
      %add3A_47 = arith.constant 3 : i32
      %add3A_48 = arith.addi %mul3A_0, %add3A_47 : i32
      %mul3A_49 = arith.constant 128 : i32
      %mul3A_50 = arith.muli %arg0, %mul3A_49 : i32
      %dma_wait3A_51 = arith.constant 0 : i32
      %dma_wait3A_52 = tpu.memref_slice %arg5[%dma_wait3A_51] : memref<65664xf32, #tpu.memory_space<vmem>> -> memref<128xf32, #tpu.memory_space<vmem>>
      %dma_wait3A_53 = tpu.memref_slice %arg4[%add3A_48, %mul3A_50] : memref<32768x256xf32, #tpu.memory_space<hbm>> -> memref<1x128xf32, #tpu.memory_space<hbm>>
      %dma_wait3A_54 = tpu.memref_squeeze %dma_wait3A_53 : memref<1x128xf32, #tpu.memory_space<hbm>> -> memref<128xf32, #tpu.memory_space<hbm>>
      %dma_wait3A_55 = tpu.memref_slice %arg4[%add3A_48, %mul3A_50] : memref<32768x256xf32, #tpu.memory_space<hbm>> -> memref<1x128xf32, #tpu.memory_space<hbm>>
      %dma_wait3A_56 = tpu.memref_squeeze %dma_wait3A_55 : memref<1x128xf32, #tpu.memory_space<hbm>> -> memref<128xf32, #tpu.memory_space<hbm>>
      %dma_wait3A_57 = arith.constant 0 : i32
      %dma_wait3A_58 = tpu.memref_slice %arg5[%dma_wait3A_57] : memref<65664xf32, #tpu.memory_space<vmem>> -> memref<128xf32, #tpu.memory_space<vmem>>
      tpu.wait_dma2 semaphore(%arg7 : memref<!tpu.dma_semaphore, #tpu.memory_space<semaphore_mem>>) src(%dma_wait3A_58 : memref<128xf32, #tpu.memory_space<vmem>>) dst(%dma_wait3A_56 : memref<128xf32, #tpu.memory_space<hbm>>)
      %add3A_59 = arith.constant 4 : i32
      %add3A_60 = arith.addi %mul3A_0, %add3A_59 : i32
      %mul3A_61 = arith.constant 128 : i32
      %mul3A_62 = arith.muli %arg0, %mul3A_61 : i32
      %dma_wait3A_63 = arith.constant 0 : i32
      %dma_wait3A_64 = tpu.memref_slice %arg5[%dma_wait3A_63] : memref<65664xf32, #tpu.memory_space<vmem>> -> memref<128xf32, #tpu.memory_space<vmem>>
      %dma_wait3A_65 = tpu.memref_slice %arg4[%add3A_60, %mul3A_62] : memref<32768x256xf32, #tpu.memory_space<hbm>> -> memref<1x128xf32, #tpu.memory_space<hbm>>
      %dma_wait3A_66 = tpu.memref_squeeze %dma_wait3A_65 : memref<1x128xf32, #tpu.memory_space<hbm>> -> memref<128xf32, #tpu.memory_space<hbm>>
      %dma_wait3A_67 = tpu.memref_slice %arg4[%add3A_60, %mul3A_62] : memref<32768x256xf32, #tpu.memory_space<hbm>> -> memref<1x128xf32, #tpu.memory_space<hbm>>
      %dma_wait3A_68 = tpu.memref_squeeze %dma_wait3A_67 : memref<1x128xf32, #tpu.memory_space<hbm>> -> memref<128xf32, #tpu.memory_space<hbm>>
      %dma_wait3A_69 = arith.constant 0 : i32
      %dma_wait3A_70 = tpu.memref_slice %arg5[%dma_wait3A_69] : memref<65664xf32, #tpu.memory_space<vmem>> -> memref<128xf32, #tpu.memory_space<vmem>>
      tpu.wait_dma2 semaphore(%arg7 : memref<!tpu.dma_semaphore, #tpu.memory_space<semaphore_mem>>) src(%dma_wait3A_70 : memref<128xf32, #tpu.memory_space<vmem>>) dst(%dma_wait3A_68 : memref<128xf32, #tpu.memory_space<hbm>>)
      %add3A_71 = arith.constant 5 : i32
      %add3A_72 = arith.addi %mul3A_0, %add3A_71 : i32
      %mul3A_73 = arith.constant 128 : i32
      %mul3A_74 = arith.muli %arg0, %mul3A_73 : i32
      %dma_wait3A_75 = arith.constant 0 : i32
      %dma_wait3A_76 = tpu.memref_slice %arg5[%dma_wait3A_75] : memref<65664xf32, #tpu.memory_space<vmem>> -> memref<128xf32, #tpu.memory_space<vmem>>
      %dma_wait3A_77 = tpu.memref_slice %arg4[%add3A_72, %mul3A_74] : memref<32768x256xf32, #tpu.memory_space<hbm>> -> memref<1x128xf32, #tpu.memory_space<hbm>>
      %dma_wait3A_78 = tpu.memref_squeeze %dma_wait3A_77 : memref<1x128xf32, #tpu.memory_space<hbm>> -> memref<128xf32, #tpu.memory_space<hbm>>
      %dma_wait3A_79 = tpu.memref_slice %arg4[%add3A_72, %mul3A_74] : memref<32768x256xf32, #tpu.memory_space<hbm>> -> memref<1x128xf32, #tpu.memory_space<hbm>>
      %dma_wait3A_80 = tpu.memref_squeeze %dma_wait3A_79 : memref<1x128xf32, #tpu.memory_space<hbm>> -> memref<128xf32, #tpu.memory_space<hbm>>
      %dma_wait3A_81 = arith.constant 0 : i32
      %dma_wait3A_82 = tpu.memref_slice %arg5[%dma_wait3A_81] : memref<65664xf32, #tpu.memory_space<vmem>> -> memref<128xf32, #tpu.memory_space<vmem>>
      tpu.wait_dma2 semaphore(%arg7 : memref<!tpu.dma_semaphore, #tpu.memory_space<semaphore_mem>>) src(%dma_wait3A_82 : memref<128xf32, #tpu.memory_space<vmem>>) dst(%dma_wait3A_80 : memref<128xf32, #tpu.memory_space<hbm>>)
      %add3A_83 = arith.constant 6 : i32
      %add3A_84 = arith.addi %mul3A_0, %add3A_83 : i32
      %mul3A_85 = arith.constant 128 : i32
      %mul3A_86 = arith.muli %arg0, %mul3A_85 : i32
      %dma_wait3A_87 = arith.constant 0 : i32
      %dma_wait3A_88 = tpu.memref_slice %arg5[%dma_wait3A_87] : memref<65664xf32, #tpu.memory_space<vmem>> -> memref<128xf32, #tpu.memory_space<vmem>>
      %dma_wait3A_89 = tpu.memref_slice %arg4[%add3A_84, %mul3A_86] : memref<32768x256xf32, #tpu.memory_space<hbm>> -> memref<1x128xf32, #tpu.memory_space<hbm>>
      %dma_wait3A_90 = tpu.memref_squeeze %dma_wait3A_89 : memref<1x128xf32, #tpu.memory_space<hbm>> -> memref<128xf32, #tpu.memory_space<hbm>>
      %dma_wait3A_91 = tpu.memref_slice %arg4[%add3A_84, %mul3A_86] : memref<32768x256xf32, #tpu.memory_space<hbm>> -> memref<1x128xf32, #tpu.memory_space<hbm>>
      %dma_wait3A_92 = tpu.memref_squeeze %dma_wait3A_91 : memref<1x128xf32, #tpu.memory_space<hbm>> -> memref<128xf32, #tpu.memory_space<hbm>>
      %dma_wait3A_93 = arith.constant 0 : i32
      %dma_wait3A_94 = tpu.memref_slice %arg5[%dma_wait3A_93] : memref<65664xf32, #tpu.memory_space<vmem>> -> memref<128xf32, #tpu.memory_space<vmem>>
      tpu.wait_dma2 semaphore(%arg7 : memref<!tpu.dma_semaphore, #tpu.memory_space<semaphore_mem>>) src(%dma_wait3A_94 : memref<128xf32, #tpu.memory_space<vmem>>) dst(%dma_wait3A_92 : memref<128xf32, #tpu.memory_space<hbm>>)
      %add3A_95 = arith.constant 7 : i32
      %add3A_96 = arith.addi %mul3A_0, %add3A_95 : i32
      %mul3A_97 = arith.constant 128 : i32
      %mul3A_98 = arith.muli %arg0, %mul3A_97 : i32
      %dma_wait3A_99 = arith.constant 0 : i32
      %dma_wait3A_100 = tpu.memref_slice %arg5[%dma_wait3A_99] : memref<65664xf32, #tpu.memory_space<vmem>> -> memref<128xf32, #tpu.memory_space<vmem>>
      %dma_wait3A_101 = tpu.memref_slice %arg4[%add3A_96, %mul3A_98] : memref<32768x256xf32, #tpu.memory_space<hbm>> -> memref<1x128xf32, #tpu.memory_space<hbm>>
      %dma_wait3A_102 = tpu.memref_squeeze %dma_wait3A_101 : memref<1x128xf32, #tpu.memory_space<hbm>> -> memref<128xf32, #tpu.memory_space<hbm>>
      %dma_wait3A_103 = tpu.memref_slice %arg4[%add3A_96, %mul3A_98] : memref<32768x256xf32, #tpu.memory_space<hbm>> -> memref<1x128xf32, #tpu.memory_space<hbm>>
      %dma_wait3A_104 = tpu.memref_squeeze %dma_wait3A_103 : memref<1x128xf32, #tpu.memory_space<hbm>> -> memref<128xf32, #tpu.memory_space<hbm>>
      %dma_wait3A_105 = arith.constant 0 : i32
      %dma_wait3A_106 = tpu.memref_slice %arg5[%dma_wait3A_105] : memref<65664xf32, #tpu.memory_space<vmem>> -> memref<128xf32, #tpu.memory_space<vmem>>
      tpu.wait_dma2 semaphore(%arg7 : memref<!tpu.dma_semaphore, #tpu.memory_space<semaphore_mem>>) src(%dma_wait3A_106 : memref<128xf32, #tpu.memory_space<vmem>>) dst(%dma_wait3A_104 : memref<128xf32, #tpu.memory_space<hbm>>)
      %add3A_107 = arith.constant 8 : i32
      %add3A_108 = arith.addi %mul3A_0, %add3A_107 : i32
      %mul3A_109 = arith.constant 128 : i32
      %mul3A_110 = arith.muli %arg0, %mul3A_109 : i32
      %dma_wait3A_111 = arith.constant 0 : i32
      %dma_wait3A_112 = tpu.memref_slice %arg5[%dma_wait3A_111] : memref<65664xf32, #tpu.memory_space<vmem>> -> memref<128xf32, #tpu.memory_space<vmem>>
      %dma_wait3A_113 = tpu.memref_slice %arg4[%add3A_108, %mul3A_110] : memref<32768x256xf32, #tpu.memory_space<hbm>> -> memref<1x128xf32, #tpu.memory_space<hbm>>
      %dma_wait3A_114 = tpu.memref_squeeze %dma_wait3A_113 : memref<1x128xf32, #tpu.memory_space<hbm>> -> memref<128xf32, #tpu.memory_space<hbm>>
      %dma_wait3A_115 = tpu.memref_slice %arg4[%add3A_108, %mul3A_110] : memref<32768x256xf32, #tpu.memory_space<hbm>> -> memref<1x128xf32, #tpu.memory_space<hbm>>
      %dma_wait3A_116 = tpu.memref_squeeze %dma_wait3A_115 : memref<1x128xf32, #tpu.memory_space<hbm>> -> memref<128xf32, #tpu.memory_space<hbm>>
      %dma_wait3A_117 = arith.constant 0 : i32
      %dma_wait3A_118 = tpu.memref_slice %arg5[%dma_wait3A_117] : memref<65664xf32, #tpu.memory_space<vmem>> -> memref<128xf32, #tpu.memory_space<vmem>>
      tpu.wait_dma2 semaphore(%arg7 : memref<!tpu.dma_semaphore, #tpu.memory_space<semaphore_mem>>) src(%dma_wait3A_118 : memref<128xf32, #tpu.memory_space<vmem>>) dst(%dma_wait3A_116 : memref<128xf32, #tpu.memory_space<hbm>>)
      %add3A_119 = arith.constant 9 : i32
      %add3A_120 = arith.addi %mul3A_0, %add3A_119 : i32
      %mul3A_121 = arith.constant 128 : i32
      %mul3A_122 = arith.muli %arg0, %mul3A_121 : i32
      %dma_wait3A_123 = arith.constant 0 : i32
      %dma_wait3A_124 = tpu.memref_slice %arg5[%dma_wait3A_123] : memref<65664xf32, #tpu.memory_space<vmem>> -> memref<128xf32, #tpu.memory_space<vmem>>
      %dma_wait3A_125 = tpu.memref_slice %arg4[%add3A_120, %mul3A_122] : memref<32768x256xf32, #tpu.memory_space<hbm>> -> memref<1x128xf32, #tpu.memory_space<hbm>>
      %dma_wait3A_126 = tpu.memref_squeeze %dma_wait3A_125 : memref<1x128xf32, #tpu.memory_space<hbm>> -> memref<128xf32, #tpu.memory_space<hbm>>
      %dma_wait3A_127 = tpu.memref_slice %arg4[%add3A_120, %mul3A_122] : memref<32768x256xf32, #tpu.memory_space<hbm>> -> memref<1x128xf32, #tpu.memory_space<hbm>>
      %dma_wait3A_128 = tpu.memref_squeeze %dma_wait3A_127 : memref<1x128xf32, #tpu.memory_space<hbm>> -> memref<128xf32, #tpu.memory_space<hbm>>
      %dma_wait3A_129 = arith.constant 0 : i32
      %dma_wait3A_130 = tpu.memref_slice %arg5[%dma_wait3A_129] : memref<65664xf32, #tpu.memory_space<vmem>> -> memref<128xf32, #tpu.memory_space<vmem>>
      tpu.wait_dma2 semaphore(%arg7 : memref<!tpu.dma_semaphore, #tpu.memory_space<semaphore_mem>>) src(%dma_wait3A_130 : memref<128xf32, #tpu.memory_space<vmem>>) dst(%dma_wait3A_128 : memref<128xf32, #tpu.memory_space<hbm>>)
      %add3A_131 = arith.constant 10 : i32
      %add3A_132 = arith.addi %mul3A_0, %add3A_131 : i32
      %mul3A_133 = arith.constant 128 : i32
      %mul3A_134 = arith.muli %arg0, %mul3A_133 : i32
      %dma_wait3A_135 = arith.constant 0 : i32
      %dma_wait3A_136 = tpu.memref_slice %arg5[%dma_wait3A_135] : memref<65664xf32, #tpu.memory_space<vmem>> -> memref<128xf32, #tpu.memory_space<vmem>>
      %dma_wait3A_137 = tpu.memref_slice %arg4[%add3A_132, %mul3A_134] : memref<32768x256xf32, #tpu.memory_space<hbm>> -> memref<1x128xf32, #tpu.memory_space<hbm>>
      %dma_wait3A_138 = tpu.memref_squeeze %dma_wait3A_137 : memref<1x128xf32, #tpu.memory_space<hbm>> -> memref<128xf32, #tpu.memory_space<hbm>>
      %dma_wait3A_139 = tpu.memref_slice %arg4[%add3A_132, %mul3A_134] : memref<32768x256xf32, #tpu.memory_space<hbm>> -> memref<1x128xf32, #tpu.memory_space<hbm>>
      %dma_wait3A_140 = tpu.memref_squeeze %dma_wait3A_139 : memref<1x128xf32, #tpu.memory_space<hbm>> -> memref<128xf32, #tpu.memory_space<hbm>>
      %dma_wait3A_141 = arith.constant 0 : i32
      %dma_wait3A_142 = tpu.memref_slice %arg5[%dma_wait3A_141] : memref<65664xf32, #tpu.memory_space<vmem>> -> memref<128xf32, #tpu.memory_space<vmem>>
      tpu.wait_dma2 semaphore(%arg7 : memref<!tpu.dma_semaphore, #tpu.memory_space<semaphore_mem>>) src(%dma_wait3A_142 : memref<128xf32, #tpu.memory_space<vmem>>) dst(%dma_wait3A_140 : memref<128xf32, #tpu.memory_space<hbm>>)
      %add3A_143 = arith.constant 11 : i32
      %add3A_144 = arith.addi %mul3A_0, %add3A_143 : i32
      %mul3A_145 = arith.constant 128 : i32
      %mul3A_146 = arith.muli %arg0, %mul3A_145 : i32
      %dma_wait3A_147 = arith.constant 0 : i32
      %dma_wait3A_148 = tpu.memref_slice %arg5[%dma_wait3A_147] : memref<65664xf32, #tpu.memory_space<vmem>> -> memref<128xf32, #tpu.memory_space<vmem>>
      %dma_wait3A_149 = tpu.memref_slice %arg4[%add3A_144, %mul3A_146] : memref<32768x256xf32, #tpu.memory_space<hbm>> -> memref<1x128xf32, #tpu.memory_space<hbm>>
      %dma_wait3A_150 = tpu.memref_squeeze %dma_wait3A_149 : memref<1x128xf32, #tpu.memory_space<hbm>> -> memref<128xf32, #tpu.memory_space<hbm>>
      %dma_wait3A_151 = tpu.memref_slice %arg4[%add3A_144, %mul3A_146] : memref<32768x256xf32, #tpu.memory_space<hbm>> -> memref<1x128xf32, #tpu.memory_space<hbm>>
      %dma_wait3A_152 = tpu.memref_squeeze %dma_wait3A_151 : memref<1x128xf32, #tpu.memory_space<hbm>> -> memref<128xf32, #tpu.memory_space<hbm>>
      %dma_wait3A_153 = arith.constant 0 : i32
      %dma_wait3A_154 = tpu.memref_slice %arg5[%dma_wait3A_153] : memref<65664xf32, #tpu.memory_space<vmem>> -> memref<128xf32, #tpu.memory_space<vmem>>
      tpu.wait_dma2 semaphore(%arg7 : memref<!tpu.dma_semaphore, #tpu.memory_space<semaphore_mem>>) src(%dma_wait3A_154 : memref<128xf32, #tpu.memory_space<vmem>>) dst(%dma_wait3A_152 : memref<128xf32, #tpu.memory_space<hbm>>)
      %add3A_155 = arith.constant 12 : i32
      %add3A_156 = arith.addi %mul3A_0, %add3A_155 : i32
      %mul3A_157 = arith.constant 128 : i32
      %mul3A_158 = arith.muli %arg0, %mul3A_157 : i32
      %dma_wait3A_159 = arith.constant 0 : i32
      %dma_wait3A_160 = tpu.memref_slice %arg5[%dma_wait3A_159] : memref<65664xf32, #tpu.memory_space<vmem>> -> memref<128xf32, #tpu.memory_space<vmem>>
      %dma_wait3A_161 = tpu.memref_slice %arg4[%add3A_156, %mul3A_158] : memref<32768x256xf32, #tpu.memory_space<hbm>> -> memref<1x128xf32, #tpu.memory_space<hbm>>
      %dma_wait3A_162 = tpu.memref_squeeze %dma_wait3A_161 : memref<1x128xf32, #tpu.memory_space<hbm>> -> memref<128xf32, #tpu.memory_space<hbm>>
      %dma_wait3A_163 = tpu.memref_slice %arg4[%add3A_156, %mul3A_158] : memref<32768x256xf32, #tpu.memory_space<hbm>> -> memref<1x128xf32, #tpu.memory_space<hbm>>
      %dma_wait3A_164 = tpu.memref_squeeze %dma_wait3A_163 : memref<1x128xf32, #tpu.memory_space<hbm>> -> memref<128xf32, #tpu.memory_space<hbm>>
      %dma_wait3A_165 = arith.constant 0 : i32
      %dma_wait3A_166 = tpu.memref_slice %arg5[%dma_wait3A_165] : memref<65664xf32, #tpu.memory_space<vmem>> -> memref<128xf32, #tpu.memory_space<vmem>>
      tpu.wait_dma2 semaphore(%arg7 : memref<!tpu.dma_semaphore, #tpu.memory_space<semaphore_mem>>) src(%dma_wait3A_166 : memref<128xf32, #tpu.memory_space<vmem>>) dst(%dma_wait3A_164 : memref<128xf32, #tpu.memory_space<hbm>>)
      %add3A_167 = arith.constant 13 : i32
      %add3A_168 = arith.addi %mul3A_0, %add3A_167 : i32
      %mul3A_169 = arith.constant 128 : i32
      %mul3A_170 = arith.muli %arg0, %mul3A_169 : i32
      %dma_wait3A_171 = arith.constant 0 : i32
      %dma_wait3A_172 = tpu.memref_slice %arg5[%dma_wait3A_171] : memref<65664xf32, #tpu.memory_space<vmem>> -> memref<128xf32, #tpu.memory_space<vmem>>
      %dma_wait3A_173 = tpu.memref_slice %arg4[%add3A_168, %mul3A_170] : memref<32768x256xf32, #tpu.memory_space<hbm>> -> memref<1x128xf32, #tpu.memory_space<hbm>>
      %dma_wait3A_174 = tpu.memref_squeeze %dma_wait3A_173 : memref<1x128xf32, #tpu.memory_space<hbm>> -> memref<128xf32, #tpu.memory_space<hbm>>
      %dma_wait3A_175 = tpu.memref_slice %arg4[%add3A_168, %mul3A_170] : memref<32768x256xf32, #tpu.memory_space<hbm>> -> memref<1x128xf32, #tpu.memory_space<hbm>>
      %dma_wait3A_176 = tpu.memref_squeeze %dma_wait3A_175 : memref<1x128xf32, #tpu.memory_space<hbm>> -> memref<128xf32, #tpu.memory_space<hbm>>
      %dma_wait3A_177 = arith.constant 0 : i32
      %dma_wait3A_178 = tpu.memref_slice %arg5[%dma_wait3A_177] : memref<65664xf32, #tpu.memory_space<vmem>> -> memref<128xf32, #tpu.memory_space<vmem>>
      tpu.wait_dma2 semaphore(%arg7 : memref<!tpu.dma_semaphore, #tpu.memory_space<semaphore_mem>>) src(%dma_wait3A_178 : memref<128xf32, #tpu.memory_space<vmem>>) dst(%dma_wait3A_176 : memref<128xf32, #tpu.memory_space<hbm>>)
      %add3A_179 = arith.constant 14 : i32
      %add3A_180 = arith.addi %mul3A_0, %add3A_179 : i32
      %mul3A_181 = arith.constant 128 : i32
      %mul3A_182 = arith.muli %arg0, %mul3A_181 : i32
      %dma_wait3A_183 = arith.constant 0 : i32
      %dma_wait3A_184 = tpu.memref_slice %arg5[%dma_wait3A_183] : memref<65664xf32, #tpu.memory_space<vmem>> -> memref<128xf32, #tpu.memory_space<vmem>>
      %dma_wait3A_185 = tpu.memref_slice %arg4[%add3A_180, %mul3A_182] : memref<32768x256xf32, #tpu.memory_space<hbm>> -> memref<1x128xf32, #tpu.memory_space<hbm>>
      %dma_wait3A_186 = tpu.memref_squeeze %dma_wait3A_185 : memref<1x128xf32, #tpu.memory_space<hbm>> -> memref<128xf32, #tpu.memory_space<hbm>>
      %dma_wait3A_187 = tpu.memref_slice %arg4[%add3A_180, %mul3A_182] : memref<32768x256xf32, #tpu.memory_space<hbm>> -> memref<1x128xf32, #tpu.memory_space<hbm>>
      %dma_wait3A_188 = tpu.memref_squeeze %dma_wait3A_187 : memref<1x128xf32, #tpu.memory_space<hbm>> -> memref<128xf32, #tpu.memory_space<hbm>>
      %dma_wait3A_189 = arith.constant 0 : i32
      %dma_wait3A_190 = tpu.memref_slice %arg5[%dma_wait3A_189] : memref<65664xf32, #tpu.memory_space<vmem>> -> memref<128xf32, #tpu.memory_space<vmem>>
      tpu.wait_dma2 semaphore(%arg7 : memref<!tpu.dma_semaphore, #tpu.memory_space<semaphore_mem>>) src(%dma_wait3A_190 : memref<128xf32, #tpu.memory_space<vmem>>) dst(%dma_wait3A_188 : memref<128xf32, #tpu.memory_space<hbm>>)
      %add3A_191 = arith.constant 15 : i32
      %add3A_192 = arith.addi %mul3A_0, %add3A_191 : i32
      %mul3A_193 = arith.constant 128 : i32
      %mul3A_194 = arith.muli %arg0, %mul3A_193 : i32
      %dma_wait3A_195 = arith.constant 0 : i32
      %dma_wait3A_196 = tpu.memref_slice %arg5[%dma_wait3A_195] : memref<65664xf32, #tpu.memory_space<vmem>> -> memref<128xf32, #tpu.memory_space<vmem>>
      %dma_wait3A_197 = tpu.memref_slice %arg4[%add3A_192, %mul3A_194] : memref<32768x256xf32, #tpu.memory_space<hbm>> -> memref<1x128xf32, #tpu.memory_space<hbm>>
      %dma_wait3A_198 = tpu.memref_squeeze %dma_wait3A_197 : memref<1x128xf32, #tpu.memory_space<hbm>> -> memref<128xf32, #tpu.memory_space<hbm>>
      %dma_wait3A_199 = tpu.memref_slice %arg4[%add3A_192, %mul3A_194] : memref<32768x256xf32, #tpu.memory_space<hbm>> -> memref<1x128xf32, #tpu.memory_space<hbm>>
      %dma_wait3A_200 = tpu.memref_squeeze %dma_wait3A_199 : memref<1x128xf32, #tpu.memory_space<hbm>> -> memref<128xf32, #tpu.memory_space<hbm>>
      %dma_wait3A_201 = arith.constant 0 : i32
      %dma_wait3A_202 = tpu.memref_slice %arg5[%dma_wait3A_201] : memref<65664xf32, #tpu.memory_space<vmem>> -> memref<128xf32, #tpu.memory_space<vmem>>
      tpu.wait_dma2 semaphore(%arg7 : memref<!tpu.dma_semaphore, #tpu.memory_space<semaphore_mem>>) src(%dma_wait3A_202 : memref<128xf32, #tpu.memory_space<vmem>>) dst(%dma_wait3A_200 : memref<128xf32, #tpu.memory_space<hbm>>)
    }
    %scan3A_11 = arith.constant 128 : i32
    return
  }
}

module attributes {stable_mosaic.version = 14 : i64} {
  func.func @_tc_body(%arg0: i32, %arg1: memref<1024x256xf32, #tpu.memory_space<vmem>>, %arg2: memref<8x128xi32, #tpu.memory_space<vmem>>, %arg3: memref<512x256xf32, #tpu.memory_space<vmem>>, %arg4: memref<1x512xf32, #tpu.memory_space<vmem>>, %arg5: memref<8x128xi32, #tpu.memory_space<vmem>>, %arg6: memref<8x128xi32, #tpu.memory_space<vmem>>, %arg7: memref<1x1xf32, #tpu.memory_space<vmem>>) attributes {dimension_semantics = [#tpu.dimension_semantics<arbitrary>], iteration_bounds = array<i64: 32>, scalar_prefetch = 0 : i64, scratch_operands = 0 : i64, tpu.core_type = #tpu.core_type<tc>, window_params = [{transform_indices = @transform_0, window_bounds = array<i64: 1024, 256>}, {transform_indices = @transform_1, window_bounds = array<i64: 8, 128>}, {pipeline_mode = #tpu.pipeline_mode<synchronous>, transform_indices = @transform_2, window_bounds = array<i64: 512, 256>}, {pipeline_mode = #tpu.pipeline_mode<synchronous>, transform_indices = @transform_3, window_bounds = array<i64: 1, 512>}, {transform_indices = @transform_4, window_bounds = array<i64: 8, 128>}, {transform_indices = @transform_5, window_bounds = array<i64: 8, 128>}, {pipeline_mode = #tpu.pipeline_mode<synchronous>, transform_indices = @transform_6, window_bounds = array<i64: 1, 1>}]} {
    %get3A = arith.constant 0 : index
    %get3A_0 = arith.constant 0 : index
    %get3A_1 = vector.load %arg1[%get3A, %get3A_0] : memref<1024x256xf32, #tpu.memory_space<vmem>>, vector<1024x256xf32>
    %get3A_2 = arith.constant 0 : index
    %get3A_3 = arith.constant 0 : index
    %get3A_4 = vector.load %arg3[%get3A_2, %get3A_3] : memref<512x256xf32, #tpu.memory_space<vmem>>, vector<512x256xf32>
    %dot_general3A = arith.constant dense<0.000000e+00> : vector<1024x512xf32>
    %dot_general3A_5 = tpu.matmul %get3A_1, %get3A_4, %dot_general3A {dimension_numbers = #tpu.dot_dimension_numbers<[1], [1], [0], [0], [0, 0, 1, 0], [], []>, transpose_lhs_hint = false} : vector<1024x256xf32>, vector<512x256xf32>, vector<1024x512xf32> -> vector<1024x512xf32>
    %mul3A = arith.mulf %get3A_1, %get3A_1 : vector<1024x256xf32>
    %reduce_sum3A = arith.constant dense<0.000000e+00> : vector<1024xf32>
    %reduce_sum3A_6 = vector.multi_reduction <add>, %mul3A, %reduce_sum3A [1] : vector<1024x256xf32> to vector<1024xf32>
    %broadcast_in_dim3A = vector.shape_cast %reduce_sum3A_6 : vector<1024xf32> to vector<1024x1xf32>
    %mul3A_7 = arith.mulf %get3A_4, %get3A_4 : vector<512x256xf32>
    %reduce_sum3A_8 = arith.constant dense<0.000000e+00> : vector<512xf32>
    %reduce_sum3A_9 = vector.multi_reduction <add>, %mul3A_7, %reduce_sum3A_8 [1] : vector<512x256xf32> to vector<512xf32>
    %mul3A_10 = arith.constant 2.000000e+00 : f32
    %mul3A_11 = vector.broadcast %mul3A_10 : f32 to vector<1024x512xf32>
    %mul3A_12 = arith.mulf %mul3A_11, %dot_general3A_5 : vector<1024x512xf32>
    %sub3A = vector.broadcast %broadcast_in_dim3A : vector<1024x1xf32> to vector<1024x512xf32>
    %sub3A_13 = arith.subf %sub3A, %mul3A_12 : vector<1024x512xf32>
    %broadcast_in_dim3A_14 = vector.shape_cast %reduce_sum3A_9 : vector<512xf32> to vector<1x512xf32>
    %add3A = vector.broadcast %broadcast_in_dim3A_14 : vector<1x512xf32> to vector<1024x512xf32>
    %add3A_15 = arith.addf %sub3A_13, %add3A : vector<1024x512xf32>
    %reduce_min3A = arith.constant dense<0x7F800000> : vector<1024xf32>
    %reduce_min3A_16 = vector.multi_reduction <minimumf>, %add3A_15, %reduce_min3A [1] : vector<1024x512xf32> to vector<1024xf32>
    %broadcast_in_dim3A_17 = vector.shape_cast %reduce_min3A_16 : vector<1024xf32> to vector<1024x1xf32>
    %le3A = vector.broadcast %broadcast_in_dim3A_17 : vector<1024x1xf32> to vector<1024x512xf32>
    %le3A_18 = arith.cmpf ole, %add3A_15, %le3A : vector<1024x512xf32>
    %get3A_19 = arith.constant 0 : index
    %get3A_20 = arith.constant 0 : index
    %get3A_21 = vector.load %arg4[%get3A_19, %get3A_20] : memref<1x512xf32, #tpu.memory_space<vmem>>, vector<1x512xf32>
    %jit3A = arith.constant 5.120000e+02 : f32
    %broadcast_in_dim3A_22 = vector.shape_cast %get3A_21 : vector<1x512xf32> to vector<1x512xf32>
    %broadcast_in_dim3A_23 = vector.broadcast %broadcast_in_dim3A_22 : vector<1x512xf32> to vector<1024x512xf32>
    %broadcast_in_dim3A_24 = vector.broadcast %jit3A : f32 to vector<1024x512xf32>
    %select_n3A = arith.select %le3A_18, %broadcast_in_dim3A_23, %broadcast_in_dim3A_24 : vector<1024x512xi1>, vector<1024x512xf32>
    %reduce_min3A_25 = arith.constant dense<0x7F800000> : vector<1024xf32>
    %reduce_min3A_26 = vector.multi_reduction <minimumf>, %select_n3A, %reduce_min3A_25 [1] : vector<1024x512xf32> to vector<1024xf32>
    %convert_element_type3A = arith.fptosi %reduce_min3A_26 : vector<1024xf32> to vector<1024xi32>
    %reshape3A = vector.shape_cast %convert_element_type3A : vector<1024xi32> to vector<8x128xi32>
    %get3A_27 = arith.constant 0 : index
    %get3A_28 = arith.constant 0 : index
    %get3A_29 = vector.load %arg2[%get3A_27, %get3A_28] : memref<8x128xi32, #tpu.memory_space<vmem>>, vector<8x128xi32>
    %gt3A = arith.constant 0 : i32
    %gt3A_30 = vector.broadcast %gt3A : i32 to vector<8x128xi32>
    %gt3A_31 = arith.cmpi sgt, %get3A_29, %gt3A_30 : vector<8x128xi32>
    %jit3A_32 = arith.constant 512 : i32
    %broadcast_in_dim3A_33 = vector.broadcast %jit3A_32 : i32 to vector<8x128xi32>
    %select_n3A_34 = arith.select %gt3A_31, %reshape3A, %broadcast_in_dim3A_33 : vector<8x128xi1>, vector<8x128xi32>
    %swap3A = arith.constant 0 : index
    %swap3A_35 = arith.constant 0 : index
    %swap3A_36 = vector.load %arg5[%swap3A, %swap3A_35] : memref<8x128xi32, #tpu.memory_space<vmem>>, vector<8x128xi32>
    tpu.vector_store %arg5[%swap3A, %swap3A_35], %select_n3A_34 {strides = array<i32>} : memref<8x128xi32, #tpu.memory_space<vmem>>, vector<8x128xi32>,
    %jit3A_37 = arith.constant -1 : i32
    %broadcast_in_dim3A_38 = vector.broadcast %jit3A_37 : i32 to vector<8x128xi32>
    %select_n3A_39 = arith.select %gt3A_31, %reshape3A, %broadcast_in_dim3A_38 : vector<8x128xi1>, vector<8x128xi32>
    %swap3A_40 = arith.constant 0 : index
    %swap3A_41 = arith.constant 0 : index
    %swap3A_42 = vector.load %arg6[%swap3A_40, %swap3A_41] : memref<8x128xi32, #tpu.memory_space<vmem>>, vector<8x128xi32>
    tpu.vector_store %arg6[%swap3A_40, %swap3A_41], %select_n3A_39 {strides = array<i32>} : memref<8x128xi32, #tpu.memory_space<vmem>>, vector<8x128xi32>,
    %reduce_sum3A_43 = vector.shape_cast %broadcast_in_dim3A_17 : vector<1024x1xf32> to vector<1x1024x1xf32>
    %reduce_sum3A_44 = arith.constant dense<0.000000e+00> : vector<1xf32>
    %reduce_sum3A_45 = vector.multi_reduction <add>, %reduce_sum3A_43, %reduce_sum3A_44 [1, 2] : vector<1x1024x1xf32> to vector<1xf32>
    %reduce_sum3A_46 = vector.shape_cast %reduce_sum3A_45 : vector<1xf32> to vector<1x1x1xf32>
    %reduce_sum3A_47 = vector.extract %reduce_sum3A_46[0, 0, 0] : f32 from vector<1x1x1xf32>
    %eq3A = arith.constant 0 : i32
    %eq3A_48 = arith.cmpi eq, %arg0, %eq3A : i32
    %convert_element_type3A_49 = arith.extui %eq3A_48 : i1 to i32
    %cond3A = arith.constant 0 : i32
    %cond3A_50 = arith.cmpi ne, %convert_element_type3A_49, %cond3A : i32
    scf.if %cond3A_50 {
      %broadcast_in_dim3A_59 = arith.constant 0.000000e+00 : f32
      %broadcast_in_dim3A_60 = vector.broadcast %broadcast_in_dim3A_59 : f32 to vector<1x1xf32>
      %swap3A_61 = arith.constant 0 : index
      %swap3A_62 = arith.constant 0 : index
      %swap3A_63 = vector.load %arg7[%swap3A_61, %swap3A_62] : memref<1x1xf32, #tpu.memory_space<vmem>>, vector<1x1xf32>
      tpu.vector_store %arg7[%swap3A_61, %swap3A_62], %broadcast_in_dim3A_60 {strides = array<i32>} : memref<1x1xf32, #tpu.memory_space<vmem>>, vector<1x1xf32>,
    } else {
    }
    %get3A_51 = arith.constant 0 : index
    %get3A_52 = arith.constant 0 : index
    %get3A_53 = vector.load %arg7[%get3A_51, %get3A_52] : memref<1x1xf32, #tpu.memory_space<vmem>>, vector<1x1xf32>
    %add3A_54 = vector.broadcast %reduce_sum3A_47 : f32 to vector<1x1xf32>
    %add3A_55 = arith.addf %get3A_53, %add3A_54 : vector<1x1xf32>
    %swap3A_56 = arith.constant 0 : index
    %swap3A_57 = arith.constant 0 : index
    %swap3A_58 = vector.load %arg7[%swap3A_56, %swap3A_57] : memref<1x1xf32, #tpu.memory_space<vmem>>, vector<1x1xf32>
    tpu.vector_store %arg7[%swap3A_56, %swap3A_57], %add3A_55 {strides = array<i32>} : memref<1x1xf32, #tpu.memory_space<vmem>>, vector<1x1xf32>,
    return
  }
  func.func @transform_0(%arg0: i32) -> (i32, i32) {
    %c0_i32 = arith.constant 0 : i32
    %c0_i32_0 = arith.constant 0 : i32
    return %arg0, %c0_i32 : i32, i32
  }
  func.func @transform_1(%arg0: i32) -> (i32, i32) {
    %c0_i32 = arith.constant 0 : i32
    %c0_i32_0 = arith.constant 0 : i32
    return %arg0, %c0_i32 : i32, i32
  }
  func.func @transform_2(%arg0: i32) -> (i32, i32) {
    %c0_i32 = arith.constant 0 : i32
    %c0_i32_0 = arith.constant 0 : i32
    %c0_i32_1 = arith.constant 0 : i32
    return %c0_i32, %c0_i32_0 : i32, i32
  }
  func.func @transform_3(%arg0: i32) -> (i32, i32) {
    %c0_i32 = arith.constant 0 : i32
    %c0_i32_0 = arith.constant 0 : i32
    %c0_i32_1 = arith.constant 0 : i32
    return %c0_i32, %c0_i32_0 : i32, i32
  }
  func.func @transform_4(%arg0: i32) -> (i32, i32) {
    %c0_i32 = arith.constant 0 : i32
    %c0_i32_0 = arith.constant 0 : i32
    return %arg0, %c0_i32 : i32, i32
  }
  func.func @transform_5(%arg0: i32) -> (i32, i32) {
    %c0_i32 = arith.constant 0 : i32
    %c0_i32_0 = arith.constant 0 : i32
    return %arg0, %c0_i32 : i32, i32
  }
  func.func @transform_6(%arg0: i32) -> (i32, i32) {
    %c0_i32 = arith.constant 0 : i32
    %c0_i32_0 = arith.constant 0 : i32
    %c0_i32_1 = arith.constant 0 : i32
    return %c0_i32, %c0_i32_0 : i32, i32
  }
}

</mosaic_0001>

<sc_bundles>
// kernel: kernel.4.cloned.1.call-start
scs
__scs_entry_jumppad:
0x0: {  	(pc) =	sbr.rel $0x88, $3  }
0x1: {  	(tag) =	ssettag $0x0;
	lr =	simm.s32 $0x1  }
0x2: {  	[smem:$0x3F9E] =	sst lr;
	_ =	strace $0xD0000000  }
0x3: {  	_ = 	snop  }
0x4: {  	_ = 	snop  }
0x5: {  	_ = 	snop  }
0x6: {  	_ = 	snop  }
0x7: {  	_ = 	snop  }
__scs_overlays_trampoline_lowered:
0x8: {  	[smem:$0x3FAD] =	sst s0  }
0x9: {  	[smem:$0x3FAE] =	sst s1  }
0xa: {  	[smem:$0x3FAF] =	sst s2  }
0xb: {  	[smem:$0x3FB0] =	sst s3  }
0xc: {  	[smem:$0x3FB1] =	sst s4  }
0xd: {  	[smem:$0x3FB2] =	sst s5  }
0xe: {  	[smem:$0x3FB3] =	sst s6  }
0xf: {  	[smem:$0x3FB4] =	sst s7  }
0x10: {  	[smem:$0x3FB5] =	sst s8  }
0x11: {  	[smem:$0x3FB6] =	sst s9;
	s0 =	simm.s32 @!p0 $0x0  }
0x12: {  	s1 =	sld [smem:$0x3F9C];
	s0 =	simm.s32 @p0 $0x1  }
0x13: {  	[smem:$0x3FB7] =	sst s0;
	s0 =	simm.s32 @!p1 $0x0  }
0x14: {  	s2 =	sld [smem:$0x3F9B];
	s0 =	simm.s32 @p1 $0x1  }
0x15: {  	[smem:$0x3FB8] =	sst s0;
	s0 =	simm.s32 @!p2 $0x0  }
0x16: {  	s3 =	sld [smem:$0x3FDB];
	s0 =	simm.s32 @p2 $0x1  }
0x17: {  	s4 =	simm.s32 $0x1BF5;
	[smem:$0x3FBA] =	sst s0  }
0x18: {  	s0 =	sld [smem:$0x3F9D];
	_ =	swait.ge [sflag:s4], $0x0  }
0x19: {  	s7 =	sld [smem:$0x3F9E]  }
0x1a: {  	s8 =	sadd.s32 $0xFFFFE003, lr  }
0x1b: {  	s9 =	sadd.s32 $0xFFFFFEF7, lr;
	s5 =	simm.s32 $0xFFFFFFFF;
	p2 =	slt.u32 s8, $0xFFFFF086  }
0x1c: {  	p1 =	slt.u32 s9, $0xF7A;
	s5 =	simm.s32 @!p2 $0x0  }
0x1d: {  	s5 =	simm.s32 @p1 $0x1;
	p0 =	seq.s32 s7, s2  }
0x1e: {  	s7 =	smul.u32 @!p0 $0xF7A, s2;
	p2 =	seq.s32 @!p0 s5, $0x0  }
0x1f: {  	s9 =	smul.u32 $0xF7A, s1;
	s8 =	simm.s32 @!p0 $0x1BF5;
	p2 =	por !p2, p0  }
0x20: {  	[sflag:s8] =	ssyncset.s32 @!p0 $0xFFFFF086;
	s6 =	sadd.s32 @!p0 s3, s7;
	s7 =	simm.s32 @!p0 $0x108  }
0x21: {  	s3 =	sadd.s32 s3, s9;
	s6 =	sadd.s32 @!p0 $0x88, s6;
	s7 =	simm.s32 @p2 $0x1082  }
0x22: {  	[simem:s7], [sflag:s8] =	dma.local @!p0 [hbm:s6], $0xF7A  }
0x23: {  	s9 =	sor.u32 $0xD0000000, s2;
	s6 =	simm.s32 $0x108;
	_ =	swait.ge @!p0 [sflag:s8], $0x0  }
0x24: {  	s3 =	sadd.s32 $0x88, s3;
	s6 =	simm.s32 @!p1 $0x1082;
	[sflag:s4] =	ssyncset.s32 $0xFFFFF086  }
0x25: {  	[simem:s6], [sflag:s4] =	dma.local [hbm:s3], $0xF7A  }
0x26: {  	[smem:$0x3F9E] =	sst s1;
	(tag) =	ssettag s2;
	_ =	strace s9  }
0x27: {  	s1 =	sld [smem:$0x3FAE]  }
0x28: {  	s2 =	sld [smem:$0x3FAF]  }
0x29: {  	s4 =	sld [smem:$0x3FB1]  }
0x2a: {  	p0 =	seq.s32 s5, $0x0;
	s5 =	sld [smem:$0x3FB2]  }
0x2b: {  	s6 =	sld [smem:$0x3FB3]  }
0x2c: {  	s7 =	sld [smem:$0x3FB4]  }
0x2d: {  	s3 =	simm.s32 $0x108;
	s8 =	sld [smem:$0x3FB5]  }
0x2e: {  	s3 =	simm.s32 @!p0 $0x1082;
	s9 =	sld [smem:$0x3FB6]  }
0x2f: {  	lr =	sadd.s32 s0, s3;
	s0 =	sld [smem:$0x3FAD]  }
0x30: {  	s3 =	sld [smem:$0x3FB0]  }
0x31: {  	[smem:$0x3FB9] =	sst s10  }
0x32: {  	s10 =	sld [smem:$0x3FB7];
	_ =	sdelay $0x3  }
0x33: {  	p0 =	seq.s32 s10, $0x1;
	s10 =	sld [smem:$0x3FB9];
	_ =	sdelay $0x3  }
0x34: {  	[smem:$0x3FB9] =	sst s10  }
0x35: {  	s10 =	sld [smem:$0x3FB8];
	_ =	sdelay $0x3  }
0x36: {  	p1 =	seq.s32 s10, $0x1;
	s10 =	sld [smem:$0x3FB9];
	_ =	sdelay $0x3  }
0x37: {  	[smem:$0x3FB9] =	sst s10  }
0x38: {  	s10 =	sld [smem:$0x3FBA]  }
0x39: {  	_ = 	snop;
	(pc) =	sbr.ind lr, $3  }
0x3a: {  	_ = 	snop  }
0x3b: {  	_ = 	snop  }
0x3c: {  	p2 =	seq.s32 s10, $0x1;
	s10 =	sld [smem:$0x3FB9]  }
0x3d: {  	_ =	shalt  }
0x3e: {  	_ =	shalt  }
0x3f: {  	_ =	shalt  }
0x40: {  	_ =	shalt  }
0x41: {  	_ =	shalt  }
0x42: {  	_ =	shalt  }
0x43: {  	_ =	shalt  }
0x44: {  	_ =	shalt  }
0x45: {  	_ =	shalt  }
0x46: {  	_ =	shalt  }
0x47: {  	_ =	shalt  }
0x48: {  	_ =	shalt  }
0x49: {  	_ =	shalt  }
0x4a: {  	_ =	shalt  }
0x4b: {  	_ =	shalt  }
0x4c: {  	_ =	shalt  }
0x4d: {  	_ =	shalt  }
0x4e: {  	_ =	shalt  }
0x4f: {  	_ =	shalt  }
0x50: {  	_ =	shalt  }
0x51: {  	_ =	shalt  }
0x52: {  	_ =	shalt  }
0x53: {  	_ =	shalt  }
0x54: {  	_ =	shalt  }
0x55: {  	_ =	shalt  }
0x56: {  	_ =	shalt  }
0x57: {  	_ =	shalt  }
0x58: {  	_ =	shalt  }
0x59: {  	_ =	shalt  }
0x5a: {  	_ =	shalt  }
0x5b: {  	_ =	shalt  }
0x5c: {  	_ =	shalt  }
0x5d: {  	_ =	shalt  }
0x5e: {  	_ =	shalt  }
0x5f: {  	_ =	shalt  }
0x60: {  	_ =	shalt  }
0x61: {  	_ =	shalt  }
0x62: {  	_ =	shalt  }
0x63: {  	_ =	shalt  }
0x64: {  	_ =	shalt  }
0x65: {  	_ =	shalt  }
0x66: {  	_ =	shalt  }
0x67: {  	_ =	shalt  }
0x68: {  	_ =	shalt  }
0x69: {  	_ =	shalt  }
0x6a: {  	_ =	shalt  }
0x6b: {  	_ =	shalt  }
0x6c: {  	_ =	shalt  }
0x6d: {  	_ =	shalt  }
0x6e: {  	_ =	shalt  }
0x6f: {  	_ =	shalt  }
0x70: {  	_ =	shalt  }
0x71: {  	_ =	shalt  }
0x72: {  	_ =	shalt  }
0x73: {  	_ =	shalt  }
0x74: {  	_ =	shalt  }
0x75: {  	_ =	shalt  }
0x76: {  	_ =	shalt  }
0x77: {  	_ =	shalt  }
0x78: {  	_ =	shalt  }
0x79: {  	_ =	shalt  }
0x7a: {  	_ =	shalt  }
0x7b: {  	_ =	shalt  }
0x7c: {  	_ =	shalt  }
0x7d: {  	_ =	shalt  }
0x7e: {  	_ =	shalt  }
0x7f: {  	_ =	shalt  }
0x80: {  	_ =	shalt  }
0x81: {  	_ =	shalt  }
0x82: {  	_ =	shalt  }
0x83: {  	_ =	shalt  }
0x84: {  	_ =	shalt  }
0x85: {  	_ =	shalt  }
0x86: {  	_ =	shalt  }
0x87: {  	_ =	shalt  }
.Lfunc_end0:
.L_simem_size_0:
called_computation_lowered:
.L_overlay_start_0:
0x88: {  	s2 =	sld [smem:$0x3FD9]  }
0x89: {  	s3 =	sld [smem:$0x3FFE];
	_ =	sdelay $0x1  }
0x8a: {  	s1 =	srdreg.scid  }
0x8b: {  	s0 =	sand.u32 $0x1, s1  }
0x8c: {  	s14 =	sshll.u32 s0, $0xA;
	s2 =	sadd.s32 s3, s2  }
0x8d: {  	s2 =	sadd.s32 s2, s14  }
0x8e: {  	[smem:$0x3FC5] =	sst s2  }
0x8f: {  	_ = 	snop  }
0x90: {  	s2 =	sld [smem:$0x3FD0];
	_ =	sdelay $0x2  }
0x91: {  	s15 =	simm.s32 $0xA;
	s4 =	simm.s32 $0x10  }
0x92: {  	[smem:s4], [sflag:s15] =	dma.local [hbm:s2], $0x1  }
0x93: {  	_ =	swait.eq [sflag:s15], $0x1  }
0x94: {  	[sflag:s15] =	ssyncset.done $0x0  }
0x95: {  	[sflag:s15] =	ssyncadd.s32 $0xFFFFFFFF  }
0x96: {  	s16 =	sld [smem:$0x10];
	(tm) =	ssettm $0x1  }
0x97: {  	s17 =	sld [smem:$0x3FFB];
	_ =	sdelay $0x3  }
0x98: {  	_ =	strace s17  }
0x99: {  	s3 =	sld [smem:$0x3FFC];
	_ =	sdelay $0x3  }
0x9a: {  	_ =	strace s3  }
0x9b: {  	s3 =	sld [smem:$0x3FFD];
	_ =	sdelay $0x3  }
0x9c: {  	_ =	strace s3  }
0x9d: {  	_ =	strace $0x8FFFFFFF  }
0x9e: {  	s18 =	sld [smem:$0x3FDB];
	_ =	sdelay $0x1  }
0x9f: {  	s19 =	simm.s32 $_scs_section_size  }
0xa0: {  	s5 =	simm.s32 $_size__tile_overlayer_lowered;
	s6 =	simm.s32 $_tile_overlayer_lowered  }
0xa1: {  	s22 =	simm.s32 $0x1BFF;
	s21 =	sshll.u32 s6, $0x1;
	s3 =	sadd.s32 s19, s18  }
0xa2: {  	s7 =	simm.s32 $0x0;
	s20 =	sshll.u32 s5, $0x1;
	s5 =	sadd.s32 s21, s3  }
0xa3: {  	[timem:s7], [sflag:s22] =	dma.local [hbm:s5], s20  }
0xa4: {  	_ =	swait.ge [sflag:s22], s20  }
0xa5: {  	s4 =	ssub.s32 $0x0, s20;
	[sflag:s22] =	ssyncset.done $0x0  }
0xa6: {  	[sflag:s22] =	ssyncadd.s32 s4;
	_ =	sdelay $0x1  }
0xa7: {  	s23 =	simm.s32 $0x1B8B  }
0xa8: {  	_ =	swait.ge [sflag:s23], $0x1  }
0xa9: {  	[sflag:s23] =	ssyncset.done $0x0  }
0xaa: {  	s25 =	simm.s32 $0x1B8E;
	s24 =	sld [smem:$0x3FFE];
	[sflag:s23] =	ssyncadd.s32 $0xFFFFFFFF  }
0xab: {  	s26 =	simm.s32 $execute0_lowered;
	[smem:$0x3FD2] =	sst s25  }
0xac: {  	s5 =	sshll.u32 s26, $0x1;
	_ =	strace $0x80000046;
	[dreg:$0x1] =	wrdreg $0xFFFFFFFF  }
0xad: {  	s28 =	simm.s32 $_size_execute0_lowered;
	s3 =	sadd.s32 s3, s5;
	[dreg:$0x0] =	wrdreg $0x0  }
0xae: {  	s5 =	sshll.u32 s28, $0x1;
	[dreg:$0x2] =	wrdreg s3  }
0xaf: {  	[dreg:$0x3] =	wrdreg s5  }
0xb0: {  	[dreg:$0x4] =	wrdreg $0xC0  }
0xb1: {  	_ =	task [dreg:s7], $0x5FFFF  }
0xb2: {  	[dreg:$0x1] =	wrdreg $0xFFFFFFFF  }
0xb3: {  	[dreg:$0x0] =	wrdreg $0x60  }
0xb4: {  	[dreg:$0x2] =	wrdreg s24  }
0xb5: {  	[dreg:$0x3] =	wrdreg s16  }
0xb6: {  	[dreg:$0x4] =	wrdreg $0x9  }
0xb7: {  	_ =	task.clear_ibuf [dreg:s7], $0x5FFFF;
	_ =	strace $0x90000046  }
0xb8: {  	s29 =	simm.s32 $0x9;
	_ =	strace $0x80000048  }
0xb9: {  	_ =	swait.ge [sflag:s29], $0x1  }
0xba: {  	[sflag:s29] =	ssyncadd.s32 $0xFFFFFFFF  }
0xbb: {  	_ =	strace $0x90000048  }
0xbc: {  	_ =	sfence  }
0xbd: {  	s30 =	sld [smem:$0x0];
	_ =	sdelay $0x2  }
0xbe: {  	s31 =	sshll.u32 s1, $0xD;
	s1 =	sshrl.u32 s1, $0x2  }
0xbf: {  	s3 =	sand.u32 $0x4000, s31;
	s1 =	sadd.s32 s1, s30  }
0xc0: {  	s0 =	sor.u32 s3, s0;
	s1 =	sshll.u32 s1, $0x11  }
0xc1: {  	s0 =	sor.u32 s1, s0  }
0xc2: {  	s0 =	sadd.s32 $0x8F2B, s0  }
0xc3: {  	[sflag:s0] =	ssyncadd.remote.s32 $0x1  }
0xc4: {  	_ =	sfence.sel $0xFFFF  }
0xc5: {  	[dreg:$0x0] =	wrdreg $0xFFFFFFFF;
	(pc) =	sbr.abs _section_cstart, $3  }
0xc6: {  	[dreg:$0x1] =	wrdreg $0xFFFFFFFF  }
0xc7: {  	_ =	task.clear_ibuf [dreg:s7], $0x2FFFF;
	_ =	strace $0x9FFFFFFF  }
0xc8: {  	(tm) =	ssettm $0x7FFFFFFF  }
0xc9: {  	_ =	shalt  }
tec
execute0_lowered:
.L_overlay_start_1:
0x0: {  	(tag) =	ssettag $0x1  }
0x1: {  	s3 =	rddreg [dreg:$0x0]  }
0x2: {  	s4 =	rddreg [dreg:$0x1]  }
0x3: {  	s0 =	rddreg [dreg:$0x2];
	s1 =	stileid.u32  }
0x4: {  	s5 =	srdreg.scid;
	s2 =	simm.s32 $0x0;
	s10 =	simm.s32 $0x1  }
0x5: {  	s11 =	simm.s32 $0x0;
	s6 =	sshll.u32 s1, $0xB;
	s7 =	sshll.u32 s1, $0x7  }
0x6: {  	s5 =	sand.u32 $0x1, s5;
	[smem:$0x7FF] =	sst s2;
	s8 =	sshll.u32 s1, $0x10  }
0x7: {  	s6 =	sor.u32 s7, s6;
	s28 =	sshll.u32 s5, $0x4;
	_ =	strace $0x80000047  }
0x8: {  	s29 =	ssub.s32 $0x2, s5;
	s5 =	sshll.u32 s5, $0x7;
	s4 =	sadd.s32 s8, s4  }
0x9: {  	s8 =	simm.s32 $0x2;
	s6 =	sand.u32 $0x4380, s6;
	s7 =	sadd.s32 s28, s3  }
0xa: {  	s9 =	sshrl.u32 s29, $0x1;
	s31 =	sadd.s32 s5, s4;
	s6 =	sshrl.u32 s6, $0x3  }
0xb: {  	s30 =	ssub.s32 s29, s9;
	[dreg:$0x3] =	wrdreg s31;
	s9 =	simm.s32 $0x400  }
0xc: {  	s6 =	sadd.s32 s6, s3;
	s3 =	sadd.s32 $0x1800, s7;
	s5 =	smax.u32 s30, $0x1  }
0xd: {  	s7 =	simm.s32 $0x100;
	s4 =	sadd.s32 $0x800, s6;
	s6 =	simm.s32 $0x80  }
.LBB2_1:
0xe: {  	[tilespmem:s2], [sflag:$0x2] =	stream.strided.gather [hbm4b:s3+s6], $0x10080, s7, s6, $0x38;
	[tilespmem:$0x10880] =	vst v63  }
0xf: {  	_ =	swait.ge [sflag:s8], $0x10080  }
0x10: {  	[sflag:s8] =	ssyncset.done $0x0  }
0x11: {  	s12 =	simm.s32 $0x10080;
	[sflag:s8] =	ssyncadd.s32 $0xFFFEFF80  }
0x12: {  	[tilespmem:s12], [sflag:$0x2] =	stream.strided.gather [hbm4b:s4+s6], $0x800, s9, s6, $0x38;
	[tilespmem:$0x10880] =	vst v63  }
0x13: {  	_ =	swait.ge [sflag:s8], $0x800  }
0x14: {  	[sflag:s8] =	ssyncset.done $0x0  }
0x15: {  	[sflag:s8] =	ssyncadd.s32 $0xFFFFF800  }
0x16: {  	v0 =	vld [tilespmem:s12+$0x0];
	_ =	sdelay $0x4  }
0x17: {  	v0 =	vshll.u32 v0, $0x9  }
0x18: {  	v0 =	vshra.s32 v0, $0x2  }
0x19: {  	(v2sf) =	vpush v0, $0x0;
	_ =	sdelay $0x1  }
0x1a: {  	(v2sf) =	vpush v0, $0x1;
	_ =	sdelay $0x1  }
0x1b: {  	(v2sf) =	vpush v0, $0x2;
	_ =	sdelay $0x1  }
0x1c: {  	(v2sf) =	vpush v0, $0x3;
	_ =	sdelay $0x1  }
0x1d: {  	(v2sf) =	vpush v0, $0x4;
	_ =	sdelay $0x1  }
0x1e: {  	(v2sf) =	vpush v0, $0x5;
	_ =	sdelay $0x1  }
0x1f: {  	(v2sf) =	vpush v0, $0x6;
	_ =	sdelay $0x1  }
0x20: {  	s18 =	rddreg [dreg:$0x3];
	(v2sf) =	vpush v0, $0x7  }
0x21: {  	s13 =	sadd.s32 $0x0, s18;
	s19 =	spop (v2sf)  }
0x22: {  	(v2sf) =	vpush v0, $0x8;
	[hbm4b:s13+s2] =	stream.linear.scatter [tilespmem:s19], [sflag:$0x1], $0x80, $0x38;
	[tilespmem:$0x10880] =	vst v63  }
0x23: {  	s20 =	sadd.s32 $0x10, s13;
	s14 =	spop (v2sf);
	(v2sf) =	vpush v0, $0x9  }
0x24: {  	[hbm4b:s20+s2] =	stream.linear.scatter [tilespmem:s14], [sflag:$0x1], $0x80, $0x38;
	[tilespmem:$0x10880] =	vst v63  }
0x25: {  	s21 =	sadd.s32 $0x20, s13;
	s22 =	spop (v2sf);
	(v2sf) =	vpush v0, $0xA  }
0x26: {  	[hbm4b:s21+s2] =	stream.linear.scatter [tilespmem:s22], [sflag:$0x1], $0x80, $0x38;
	[tilespmem:$0x10880] =	vst v63  }
0x27: {  	s23 =	sadd.s32 $0x30, s13;
	s24 =	spop (v2sf);
	(v2sf) =	vpush v0, $0xB  }
0x28: {  	[hbm4b:s23+s2] =	stream.linear.scatter [tilespmem:s24], [sflag:$0x1], $0x80, $0x38;
	[tilespmem:$0x10880] =	vst v63  }
0x29: {  	s25 =	sadd.s32 $0x40, s13;
	s26 =	spop (v2sf);
	(v2sf) =	vpush v0, $0xC  }
0x2a: {  	[hbm4b:s25+s2] =	stream.linear.scatter [tilespmem:s26], [sflag:$0x1], $0x80, $0x38;
	[tilespmem:$0x10880] =	vst v63  }
0x2b: {  	s28 =	sadd.s32 $0x50, s13;
	s29 =	spop (v2sf);
	(v2sf) =	vpush v0, $0xD  }
0x2c: {  	[hbm4b:s28+s2] =	stream.linear.scatter [tilespmem:s29], [sflag:$0x1], $0x80, $0x38;
	[tilespmem:$0x10880] =	vst v63  }
0x2d: {  	s30 =	sadd.s32 $0x60, s13;
	s31 =	spop (v2sf);
	(v2sf) =	vpush v0, $0xE  }
0x2e: {  	[hbm4b:s30+s2] =	stream.linear.scatter [tilespmem:s31], [sflag:$0x1], $0x80, $0x38;
	[tilespmem:$0x10880] =	vst v63  }
0x2f: {  	s15 =	sadd.s32 $0x70, s13;
	s16 =	spop (v2sf);
	(v2sf) =	vpush v0, $0xF  }
0x30: {  	[hbm4b:s15+s2] =	stream.linear.scatter [tilespmem:s16], [sflag:$0x1], $0x80, $0x38;
	[tilespmem:$0x10880] =	vst v63  }
0x31: {  	s18 =	spop (v2sf)  }
0x32: {  	s17 =	sadd.s32 $0x100, s13;
	s20 =	spop (v2sf)  }
0x33: {  	[hbm4b:s17+s2] =	stream.linear.scatter [tilespmem:s18], [sflag:$0x1], $0x80, $0x38;
	[tilespmem:$0x10880] =	vst v63  }
0x34: {  	s19 =	sadd.s32 $0x110, s13;
	s22 =	spop (v2sf)  }
0x35: {  	[hbm4b:s19+s2] =	stream.linear.scatter [tilespmem:s20], [sflag:$0x1], $0x80, $0x38;
	[tilespmem:$0x10880] =	vst v63  }
0x36: {  	s21 =	sadd.s32 $0x120, s13;
	s24 =	spop (v2sf)  }
0x37: {  	[hbm4b:s21+s2] =	stream.linear.scatter [tilespmem:s22], [sflag:$0x1], $0x80, $0x38;
	[tilespmem:$0x10880] =	vst v63  }
0x38: {  	s23 =	sadd.s32 $0x130, s13;
	s26 =	spop (v2sf)  }
0x39: {  	[hbm4b:s23+s2] =	stream.linear.scatter [tilespmem:s24], [sflag:$0x1], $0x80, $0x38;
	[tilespmem:$0x10880] =	vst v63  }
0x3a: {  	s12 =	simm.s32 $0x200;
	s25 =	sadd.s32 $0x140, s13;
	s29 =	spop (v2sf)  }
0x3b: {  	[hbm4b:s25+s2] =	stream.linear.scatter [tilespmem:s26], [sflag:$0x1], $0x80, $0x38;
	[tilespmem:$0x10880] =	vst v63  }
0x3c: {  	s14 =	sadd.s32 $0x170, s13;
	s28 =	sadd.s32 $0x150, s13;
	s31 =	spop (v2sf)  }
0x3d: {  	[hbm4b:s28+s2] =	stream.linear.scatter [tilespmem:s29], [sflag:$0x1], $0x80, $0x38;
	[tilespmem:$0x10880] =	vst v63  }
0x3e: {  	s30 =	sadd.s32 $0x160, s13;
	s13 =	simm.s32 $0x10090;
	s15 =	spop (v2sf)  }
0x3f: {  	[hbm4b:s30+s2] =	stream.linear.scatter [tilespmem:s31], [sflag:$0x1], $0x80, $0x38;
	[tilespmem:$0x10880] =	vst v63  }
.LBB2_2:
0x40: {  	[hbm4b:s14+s2] =	stream.linear.scatter [tilespmem:s15], [sflag:$0x1], $0x80, $0x38;
	[tilespmem:$0x10880] =	vst v63  }
0x41: {  	v0 =	vld [tilespmem:s13+$0x0];
	_ =	sdelay $0x4  }
0x42: {  	v0 =	vshll.u32 v0, $0x9  }
0x43: {  	v0 =	vshra.s32 v0, $0x2  }
0x44: {  	(v2sf) =	vpush v0, $0x0;
	_ =	sdelay $0x1  }
0x45: {  	(v2sf) =	vpush v0, $0x1;
	_ =	sdelay $0x1  }
0x46: {  	(v2sf) =	vpush v0, $0x2;
	_ =	sdelay $0x1  }
0x47: {  	(v2sf) =	vpush v0, $0x3;
	_ =	sdelay $0x1  }
0x48: {  	(v2sf) =	vpush v0, $0x4;
	_ =	sdelay $0x1  }
0x49: {  	(v2sf) =	vpush v0, $0x5;
	_ =	sdelay $0x1  }
0x4a: {  	(v2sf) =	vpush v0, $0x6;
	_ =	sdelay $0x1  }
0x4b: {  	s15 =	smov.u32 s12;
	s16 =	rddreg [dreg:$0x3];
	(v2sf) =	vpush v0, $0x7  }
0x4c: {  	s14 =	sadd.s32 s15, s16;
	s17 =	spop (v2sf)  }
0x4d: {  	(v2sf) =	vpush v0, $0x8;
	[hbm4b:s14+s2] =	stream.linear.scatter [tilespmem:s17], [sflag:$0x1], $0x80, $0x38;
	[tilespmem:$0x10880] =	vst v63  }
0x4e: {  	s18 =	sadd.s32 $0x10, s14;
	s16 =	spop (v2sf)  }
0x4f: {  	(v2sf) =	vpush v0, $0x9;
	[hbm4b:s18+s2] =	stream.linear.scatter [tilespmem:s16], [sflag:$0x1], $0x80, $0x38;
	[tilespmem:$0x10880] =	vst v63  }
0x50: {  	s19 =	sadd.s32 $0x20, s14;
	s20 =	spop (v2sf)  }
0x51: {  	(v2sf) =	vpush v0, $0xA;
	[hbm4b:s19+s2] =	stream.linear.scatter [tilespmem:s20], [sflag:$0x1], $0x80, $0x38;
	[tilespmem:$0x10880] =	vst v63  }
0x52: {  	s21 =	sadd.s32 $0x30, s14;
	s22 =	spop (v2sf)  }
0x53: {  	(v2sf) =	vpush v0, $0xB;
	[hbm4b:s21+s2] =	stream.linear.scatter [tilespmem:s22], [sflag:$0x1], $0x80, $0x38;
	[tilespmem:$0x10880] =	vst v63  }
0x54: {  	s23 =	sadd.s32 $0x40, s14;
	s24 =	spop (v2sf)  }
0x55: {  	(v2sf) =	vpush v0, $0xC;
	[hbm4b:s23+s2] =	stream.linear.scatter [tilespmem:s24], [sflag:$0x1], $0x80, $0x38;
	[tilespmem:$0x10880] =	vst v63  }
0x56: {  	s25 =	sadd.s32 $0x50, s14;
	s26 =	spop (v2sf)  }
0x57: {  	(v2sf) =	vpush v0, $0xD;
	[hbm4b:s25+s2] =	stream.linear.scatter [tilespmem:s26], [sflag:$0x1], $0x80, $0x38;
	[tilespmem:$0x10880] =	vst v63  }
0x58: {  	s28 =	sadd.s32 $0x60, s14;
	s29 =	spop (v2sf);
	(v2sf) =	vpush v0, $0xE  }
0x59: {  	[hbm4b:s28+s2] =	stream.linear.scatter [tilespmem:s29], [sflag:$0x1], $0x80, $0x38;
	[tilespmem:$0x10880] =	vst v63  }
0x5a: {  	s30 =	sadd.s32 $0x70, s14;
	s31 =	spop (v2sf);
	(v2sf) =	vpush v0, $0xF  }
0x5b: {  	[hbm4b:s30+s2] =	stream.linear.scatter [tilespmem:s31], [sflag:$0x1], $0x80, $0x38;
	[tilespmem:$0x10880] =	vst v63  }
0x5c: {  	s17 =	sadd.s32 $0x100, s14;
	s18 =	spop (v2sf)  }
0x5d: {  	[hbm4b:s17+s2] =	stream.linear.scatter [tilespmem:s18], [sflag:$0x1], $0x80, $0x38;
	[tilespmem:$0x10880] =	vst v63  }
0x5e: {  	s19 =	sadd.s32 $0x110, s14;
	s20 =	spop (v2sf)  }
0x5f: {  	[hbm4b:s19+s2] =	stream.linear.scatter [tilespmem:s20], [sflag:$0x1], $0x80, $0x38;
	[tilespmem:$0x10880] =	vst v63  }
0x60: {  	s21 =	sadd.s32 $0x120, s14;
	s22 =	spop (v2sf)  }
0x61: {  	[hbm4b:s21+s2] =	stream.linear.scatter [tilespmem:s22], [sflag:$0x1], $0x80, $0x38;
	[tilespmem:$0x10880] =	vst v63  }
0x62: {  	s23 =	sadd.s32 $0x130, s14;
	s24 =	spop (v2sf)  }
0x63: {  	[hbm4b:s23+s2] =	stream.linear.scatter [tilespmem:s24], [sflag:$0x1], $0x80, $0x38;
	[tilespmem:$0x10880] =	vst v63  }
0x64: {  	p0 =	sne.s32 s12, $0xFE00;
	s25 =	sadd.s32 $0x140, s14;
	s26 =	spop (v2sf)  }
0x65: {  	[hbm4b:s25+s2] =	stream.linear.scatter [tilespmem:s26], [sflag:$0x1], $0x80, $0x38;
	[tilespmem:$0x10880] =	vst v63  }
.Ltmp0:
0x66: {  	s12 =	sadd.s32 $0x200, s12;
	s29 =	spop (v2sf);
	(pc) =	sbr.rel @p0 .LBB2_2-.Ltmp0, $4  }
0x67: {  	s13 =	sadd.s32 $0x10, s13;
	s28 =	sadd.s32 $0x150, s14;
	s31 =	spop (v2sf)  }
0x68: {  	[hbm4b:s28+s2] =	stream.linear.scatter [tilespmem:s29], [sflag:$0x1], $0x80, $0x38;
	[tilespmem:$0x10880] =	vst v63  }
0x69: {  	s30 =	sadd.s32 $0x160, s14;
	s14 =	sadd.s32 $0x170, s14;
	s15 =	spop (v2sf)  }
0x6a: {  	[hbm4b:s30+s2] =	stream.linear.scatter [tilespmem:s31], [sflag:$0x1], $0x80, $0x38;
	[tilespmem:$0x10880] =	vst v63  }
0x6b: {  	[hbm4b:s14+s2] =	stream.linear.scatter [tilespmem:s15], [sflag:$0x1], $0x80, $0x38;
	[tilespmem:$0x10880] =	vst v63  }
0x6c: {  	_ =	swait.ge [sflag:s10], $0x80  }
0x6d: {  	[sflag:s10] =	ssyncset.done $0x0  }
0x6e: {  	[sflag:s10] =	ssyncadd.s32 $0xFFFFFF80  }
0x6f: {  	_ =	swait.ge [sflag:s10], $0x80  }
0x70: {  	[sflag:s10] =	ssyncset.done $0x0  }
0x71: {  	[sflag:s10] =	ssyncadd.s32 $0xFFFFFF80  }
0x72: {  	_ =	swait.ge [sflag:s10], $0x80  }
0x73: {  	[sflag:s10] =	ssyncset.done $0x0  }
0x74: {  	[sflag:s10] =	ssyncadd.s32 $0xFFFFFF80  }
0x75: {  	_ =	swait.ge [sflag:s10], $0x80  }
0x76: {  	[sflag:s10] =	ssyncset.done $0x0  }
0x77: {  	[sflag:s10] =	ssyncadd.s32 $0xFFFFFF80  }
0x78: {  	_ =	swait.ge [sflag:s10], $0x80  }
0x79: {  	[sflag:s10] =	ssyncset.done $0x0  }
0x7a: {  	[sflag:s10] =	ssyncadd.s32 $0xFFFFFF80  }
0x7b: {  	_ =	swait.ge [sflag:s10], $0x80  }
0x7c: {  	[sflag:s10] =	ssyncset.done $0x0  }
0x7d: {  	[sflag:s10] =	ssyncadd.s32 $0xFFFFFF80  }
0x7e: {  	_ =	swait.ge [sflag:s10], $0x80  }
0x7f: {  	[sflag:s10] =	ssyncset.done $0x0  }
0x80: {  	[sflag:s10] =	ssyncadd.s32 $0xFFFFFF80  }
0x81: {  	_ =	swait.ge [sflag:s10], $0x80  }
0x82: {  	[sflag:s10] =	ssyncset.done $0x0  }
0x83: {  	[sflag:s10] =	ssyncadd.s32 $0xFFFFFF80  }
0x84: {  	_ =	swait.ge [sflag:s10], $0x80  }
0x85: {  	[sflag:s10] =	ssyncset.done $0x0  }
0x86: {  	[sflag:s10] =	ssyncadd.s32 $0xFFFFFF80  }
0x87: {  	_ =	swait.ge [sflag:s10], $0x80  }
0x88: {  	[sflag:s10] =	ssyncset.done $0x0  }
0x89: {  	[sflag:s10] =	ssyncadd.s32 $0xFFFFFF80  }
0x8a: {  	_ =	swait.ge [sflag:s10], $0x80  }
0x8b: {  	[sflag:s10] =	ssyncset.done $0x0  }
0x8c: {  	[sflag:s10] =	ssyncadd.s32 $0xFFFFFF80  }
0x8d: {  	_ =	swait.ge [sflag:s10], $0x80  }
0x8e: {  	[sflag:s10] =	ssyncset.done $0x0  }
0x8f: {  	[sflag:s10] =	ssyncadd.s32 $0xFFFFFF80  }
0x90: {  	_ =	swait.ge [sflag:s10], $0x80  }
0x91: {  	[sflag:s10] =	ssyncset.done $0x0  }
0x92: {  	[sflag:s10] =	ssyncadd.s32 $0xFFFFFF80  }
0x93: {  	_ =	swait.ge [sflag:s10], $0x80  }
0x94: {  	[sflag:s10] =	ssyncset.done $0x0  }
0x95: {  	[sflag:s10] =	ssyncadd.s32 $0xFFFFFF80  }
0x96: {  	_ =	swait.ge [sflag:s10], $0x80  }
0x97: {  	[sflag:s10] =	ssyncset.done $0x0  }
0x98: {  	[sflag:s10] =	ssyncadd.s32 $0xFFFFFF80  }
0x99: {  	_ =	swait.ge [sflag:s10], $0x80  }
0x9a: {  	s12 =	simm.s32 $0x7F;
	[sflag:s10] =	ssyncset.done $0x0  }
.LBB2_4:
0x9b: {  	p0 =	sne.s32 s12, $0x1;
	s12 =	sadd.s32 $0xFFFFFFFF, s12;
	[sflag:s10] =	ssyncadd.s32 $0xFFFFFF80  }
0x9c: {  	_ =	swait.ge [sflag:s10], $0x80  }
0x9d: {  	[sflag:s10] =	ssyncset.done $0x0  }
0x9e: {  	[sflag:s10] =	ssyncadd.s32 $0xFFFFFF80  }
0x9f: {  	_ =	swait.ge [sflag:s10], $0x80  }
0xa0: {  	[sflag:s10] =	ssyncset.done $0x0  }
0xa1: {  	[sflag:s10] =	ssyncadd.s32 $0xFFFFFF80  }
0xa2: {  	_ =	swait.ge [sflag:s10], $0x80  }
0xa3: {  	[sflag:s10] =	ssyncset.done $0x0  }
0xa4: {  	[sflag:s10] =	ssyncadd.s32 $0xFFFFFF80  }
0xa5: {  	_ =	swait.ge [sflag:s10], $0x80  }
0xa6: {  	[sflag:s10] =	ssyncset.done $0x0  }
0xa7: {  	[sflag:s10] =	ssyncadd.s32 $0xFFFFFF80  }
0xa8: {  	_ =	swait.ge [sflag:s10], $0x80  }
0xa9: {  	[sflag:s10] =	ssyncset.done $0x0  }
0xaa: {  	[sflag:s10] =	ssyncadd.s32 $0xFFFFFF80  }
0xab: {  	_ =	swait.ge [sflag:s10], $0x80  }
0xac: {  	[sflag:s10] =	ssyncset.done $0x0  }
0xad: {  	[sflag:s10] =	ssyncadd.s32 $0xFFFFFF80  }
0xae: {  	_ =	swait.ge [sflag:s10], $0x80  }
0xaf: {  	[sflag:s10] =	ssyncset.done $0x0  }
0xb0: {  	[sflag:s10] =	ssyncadd.s32 $0xFFFFFF80  }
0xb1: {  	_ =	swait.ge [sflag:s10], $0x80  }
0xb2: {  	[sflag:s10] =	ssyncset.done $0x0  }
0xb3: {  	[sflag:s10] =	ssyncadd.s32 $0xFFFFFF80  }
0xb4: {  	_ =	swait.ge [sflag:s10], $0x80  }
0xb5: {  	[sflag:s10] =	ssyncset.done $0x0  }
0xb6: {  	[sflag:s10] =	ssyncadd.s32 $0xFFFFFF80  }
0xb7: {  	_ =	swait.ge [sflag:s10], $0x80  }
0xb8: {  	[sflag:s10] =	ssyncset.done $0x0  }
0xb9: {  	[sflag:s10] =	ssyncadd.s32 $0xFFFFFF80  }
0xba: {  	_ =	swait.ge [sflag:s10], $0x80  }
0xbb: {  	[sflag:s10] =	ssyncset.done $0x0  }
0xbc: {  	[sflag:s10] =	ssyncadd.s32 $0xFFFFFF80  }
0xbd: {  	_ =	swait.ge [sflag:s10], $0x80  }
0xbe: {  	[sflag:s10] =	ssyncset.done $0x0  }
0xbf: {  	[sflag:s10] =	ssyncadd.s32 $0xFFFFFF80  }
0xc0: {  	_ =	swait.ge [sflag:s10], $0x80  }
0xc1: {  	[sflag:s10] =	ssyncset.done $0x0  }
0xc2: {  	[sflag:s10] =	ssyncadd.s32 $0xFFFFFF80  }
0xc3: {  	_ =	swait.ge [sflag:s10], $0x80  }
0xc4: {  	[sflag:s10] =	ssyncset.done $0x0  }
0xc5: {  	[sflag:s10] =	ssyncadd.s32 $0xFFFFFF80  }
.Ltmp1:
0xc6: {  	_ =	swait.ge [sflag:s10], $0x80;
	(pc) =	sbr.rel @p0 .LBB2_4-.Ltmp1, $4  }
0xc7: {  	[sflag:s10] =	ssyncset.done $0x0  }
0xc8: {  	[sflag:s10] =	ssyncadd.s32 $0xFFFFFF80  }
0xc9: {  	_ =	swait.ge [sflag:s10], $0x80  }
0xca: {  	[sflag:s10] =	ssyncset.done $0x0  }
0xcb: {  	s11 =	sadd.s32 $0x1, s11  }
0xcc: {  	p0 =	sne.s32 s11, s5  }
.Ltmp2:
0xcd: {  	_ = 	snop;
	(pc) =	sbr.rel @p0 .LBB2_1-.Ltmp2, $2  }
0xce: {  	_ =	sdelay $0x2  }
0xcf: {  	[sflag:s10] =	ssyncadd.s32 $0xFFFFFF80  }
0xd0: {  	_ =	sfence.sel $0x180000  }
0xd1: {  	[bflag:$0x0] =	sbarrier.arrive $0xFFFF  }
0xd2: {  	p0 =	sne.s32 s1, $0x0;
	_ =	strace $0x90000047  }
0xd3: {  	s0 =	sadd.s32 @!p0 $0x100000, s0;
	[bflag:$0x2] =	sbarrier.arrive $0xFFFF  }
0xd4: {  	[sflag:s0] =	ssyncadd.tile.s32 @!p0 $0x1;
	_ =	shalt  }
.Lfunc_end2:
_tile_overlayer_lowered:
.L_overlay_start_2:
0xd5: {  	(tag) =	ssettag $0x2  }
0xd6: {  	s0 =	rddreg [dreg:$0x0];
	s2 =	stileid.u32  }
0xd7: {  	s1 =	rddreg [dreg:$0x1];
	p0 =	sne.s32 s2, $0x0  }
0xd8: {  	s3 =	rddreg [dreg:$0x2];
	[bflag:$0x3] =	sbarrier.arrive $0xFFFF;
	s2 =	simm.s32 @!p0 $0x1C02  }
0xd9: {  	[timem:s3], [sflag:s2] =	dma.local @!p0 [hbm:s0], s1  }
0xda: {  	s0 =	simm.s32 @!p0 $0x2  }
0xdb: {  	_ =	swait.ge @!p0 [sflag:s0], s1  }
0xdc: {  	s1 =	ssub.s32 @!p0 $0x0, s1;
	[sflag:s0] =	ssyncset.done @!p0 $0x0  }
0xdd: {  	[sflag:s0] =	ssyncadd.s32 @!p0 s1  }
0xde: {  	[bflag:$0x3] =	sbarrier.arrive $0xFFFF  }
0xdf: {  	_ =	shalt  }

</sc_bundles>
